<compile_context>
chip_gen: v7x
topology: tpu7x:2x2x1
jax: 0.10.2.dev20260603
libtpu: 0.0.44.dev20260713+nightly
codegen_flags: <defaults>
</compile_context>

<pallas_src>
import functools

import jax
import jax.numpy as jnp
from jax import lax
from jax.experimental import pallas as pl
from jax.experimental.pallas import tpu as pltpu
from jax.experimental.pallas import tpu_sc as plsc

_NUM_EMB = 8192
_DIM = 64
_PAD = 128
_BETA = 0.25
_TOKENS = 9216
_TB = 512
_NB = _TOKENS // _TB
_NW = 32
_BPW = _TOKENS // _NW
_CHUNK = 96
_NCHUNK = _BPW // _CHUNK


def _tc_body(z_ref, emb_ref, pw_ref, pbr_ref, idx_ref, qcb_ref,
             cbn_scr, iota_scr, zn_scr):
    step = pl.program_id(0)

    @pl.when(step == 0)
    def _project():
        iota_scr[...] = lax.broadcasted_iota(
            jnp.int32, (1, 128), 1).astype(jnp.float32)
        emb = emb_ref[...]
        qcb = lax.dot_general(
            emb, pw_ref[...], (((1,), (1,)), ((), ())),
            preferred_element_type=jnp.float32) + pbr_ref[...]
        qcb_ref[...] = jnp.concatenate(
            [qcb, jnp.zeros((_NUM_EMB, _PAD - _DIM), jnp.float32)], axis=1)
        n = jnp.sqrt(jnp.sum(qcb * qcb, axis=1, keepdims=True))
        cbn_scr[...] = qcb / jnp.maximum(n, 1e-12)
        z = z_ref[...]
        zn_scr[...] = z / jnp.maximum(
            jnp.sqrt(jnp.sum(z * z, axis=1, keepdims=True)), 1e-12)

    zn = zn_scr[pl.ds(step * _TB, _TB), :]
    s = lax.dot_general(
        zn, cbn_scr[...], (((1,), (1,)), ((), ())),
        preferred_element_type=jnp.float32)
    bv = lax.slice(s, (0, 0), (_TB, 128))
    bc = jnp.zeros((_TB, 128), jnp.float32)
    for j in range(1, _NUM_EMB // 128):
        sj = lax.slice(s, (0, j * 128), (_TB, (j + 1) * 128))
        gt = sj > bv
        bv = jnp.maximum(bv, sj)
        bc = jnp.where(gt, jnp.float32(j), bc)
    m = jnp.max(bv, axis=1, keepdims=True)
    eq = bv == m
    big = jnp.float32(_NUM_EMB)
    cmin = jnp.min(jnp.where(eq, bc, big), axis=1, keepdims=True)
    lane = jnp.broadcast_to(iota_scr[...], (_TB, 128))
    eq2 = jnp.logical_and(eq, bc == cmin)
    lmin = jnp.min(jnp.where(eq2, lane, big), axis=1, keepdims=True)
    idx_ref[...] = (cmin * 128 + lmin).astype(jnp.int32)


def _tc_call(zf, emb_weight, proj_w, proj_b2d):
    return pl.pallas_call(
        _tc_body,
        grid=(_NB,),
        in_specs=[
            pl.BlockSpec((_TOKENS, _DIM), lambda i: (0, 0)),
            pl.BlockSpec((_NUM_EMB, _DIM), lambda i: (0, 0)),
            pl.BlockSpec((_DIM, _DIM), lambda i: (0, 0)),
            pl.BlockSpec((1, _DIM), lambda i: (0, 0)),
        ],
        out_specs=[
            pl.BlockSpec((_TB, 1), lambda i: (i, 0)),
            pl.BlockSpec((_NUM_EMB, _PAD), lambda i: (0, 0)),
        ],
        out_shape=[
            jax.ShapeDtypeStruct((_TOKENS, 1), jnp.int32),
            jax.ShapeDtypeStruct((_NUM_EMB, _PAD), jnp.float32),
        ],
        scratch_shapes=[pltpu.VMEM((_NUM_EMB, _DIM), jnp.float32),
                        pltpu.VMEM((1, 128), jnp.float32),
                        pltpu.VMEM((_TOKENS, _DIM), jnp.float32)],
        compiler_params=pltpu.CompilerParams(
            dimension_semantics=("arbitrary",)),
    )(zf, emb_weight, proj_w, proj_b2d)


@functools.lru_cache(maxsize=1)
def _sc_gather_fn():
    mesh = plsc.VectorSubcoreMesh(core_axis_name="c", subcore_axis_name="s")

    @functools.partial(
        pl.kernel,
        mesh=mesh,
        out_type=[
            jax.ShapeDtypeStruct((_TOKENS, _PAD), jnp.float32),
            jax.ShapeDtypeStruct((_NW, 16), jnp.float32),
        ],
        scratch_types=[
            pltpu.VMEM((_BPW,), jnp.int32),
            pltpu.VMEM((_BPW, _PAD), jnp.float32),
            pltpu.VMEM((_BPW * _DIM,), jnp.float32),
            pltpu.VMEM((16,), jnp.float32),
            pltpu.SemaphoreType.DMA,
        ],
    )
    def _sc_gather(qcb_hbm, idx_hbm, zflat_hbm, out_hbm, loss_hbm,
                   idx_v, rows_v, z_v, acc_v, sem):
        c = lax.axis_index("c")
        s = lax.axis_index("s")
        wid = s * 2 + c
        base = wid * _BPW
        pltpu.sync_copy(idx_hbm.at[pl.ds(base, _BPW)], idx_v)
        for j in range(_NCHUNK):
            pltpu.async_copy(
                qcb_hbm.at[idx_v.at[pl.ds(j * _CHUNK, _CHUNK)]],
                rows_v.at[pl.ds(j * _CHUNK, _CHUNK)], sem)
        pltpu.sync_copy(zflat_hbm.at[pl.ds(base * _DIM, _BPW * _DIM)], z_v)
        for j in range(_NCHUNK):
            pltpu.make_async_copy(
                qcb_hbm.at[idx_v.at[pl.ds(j * _CHUNK, _CHUNK)]],
                rows_v.at[pl.ds(j * _CHUNK, _CHUNK)], sem).wait()
        out_cp = pltpu.make_async_copy(
            rows_v, out_hbm.at[pl.ds(base, _BPW)], sem)
        out_cp.start()

        def body(i, acc):
            for k in range(_DIM // 16):
                q = rows_v[i, pl.ds(k * 16, 16)]
                zz = z_v[pl.ds(i * _DIM + k * 16, 16)]
                d = q - zz
                acc = acc + d * d
            return acc

        acc = lax.fori_loop(0, _BPW, body, jnp.zeros((16,), jnp.float32))
        acc_v[...] = acc
        out_cp.wait()
        pltpu.sync_copy(acc_v, loss_hbm.at[wid])

    return _sc_gather


def kernel(z, emb_weight, proj_w, proj_b, l2_scale):
    del l2_scale
    B, T, D = z.shape
    zf = z.reshape(-1, D)
    idx2d, qcb_pad = _tc_call(zf, emb_weight, proj_w, proj_b.reshape(1, D))
    idx = idx2d.reshape(-1)
    quant_pad, loss_rows = _sc_gather_fn()(qcb_pad, idx, zf.reshape(-1))
    quant = quant_pad[:, :_DIM]
    vq_loss = (1.0 + _BETA) * jnp.sum(loss_rows) / zf.size
    return quant.reshape(z.shape), vq_loss, idx.reshape(B, T)

# --- scband reference (transcript-rebuilt; emitter-appended) ---
"""Pipeline reference for scband-sim-vq-85796266705419 (READ-ONLY COPY).

The authoritative reference and input builder live on the scoring server;
editing this copy changes nothing except your own understanding.
"""

import jax, jax.numpy as jnp
import numpy as np

NUM_EMB = 8192
DIM = 64
BETA = 0.25


def _l2_normalize(x, eps=1e-12):
    n = jnp.linalg.norm(x, axis=-1, keepdims=True)
    return x / jnp.maximum(n, eps)


def setup_inputs(seed: int = 0) -> dict:
    key = jax.random.key(seed)
    k1, k2, k3, k4 = jax.random.split(key, 4)
    z = jax.random.normal(k1, (16, 576, DIM), dtype=jnp.float32)
    # frozen codebook, init normal(0, DIM**-0.5)
    emb_weight = jax.random.normal(k2, (NUM_EMB, DIM), dtype=jnp.float32) * (DIM ** -0.5)
    # nn.Linear default init: uniform(-1/sqrt(fan_in), 1/sqrt(fan_in))
    bound = 1.0 / np.sqrt(DIM)
    proj_w = jax.random.uniform(k3, (DIM, DIM), minval=-bound, maxval=bound, dtype=jnp.float32)
    proj_b = jax.random.uniform(k4, (DIM,), minval=-bound, maxval=bound, dtype=jnp.float32)
    l2_scale = jnp.float32(10.0)
    return {"z": z, "emb_weight": emb_weight, "proj_w": proj_w, "proj_b": proj_b, "l2_scale": l2_scale}


def reference(z, emb_weight, proj_w, proj_b, l2_scale):
    input_shape = z.shape  # (B, T, D), 3D path of the torch module
    z_flat = z.reshape(-1, DIM)
    # learnable projection of the frozen codebook
    quant_codebook = z_flat.dtype.type(0) + (emb_weight @ proj_w.T + proj_b)
    # L2-normalized cosine distance path (use_l2_norm=True)
    z_norm = _l2_normalize(z_flat)
    cb_norm = _l2_normalize(quant_codebook)
    distances = -(z_norm @ cb_norm.T) * l2_scale
    encoding_indices = jnp.argmin(distances, axis=1)
    quantized = jnp.take(quant_codebook, encoding_indices, axis=0).reshape(z.shape)
    commitment_loss = jnp.mean((jax.lax.stop_gradient(quantized) - z) ** 2)
    codebook_loss = jnp.mean((quantized - jax.lax.stop_gradient(z)) ** 2)
    # legacy=True formulation
    vq_loss = commitment_loss + BETA * codebook_loss
    # straight-through estimator
    quantized = z + jax.lax.stop_gradient(quantized - z)
    encoding_indices = encoding_indices.reshape(input_shape[0], input_shape[1])
    return quantized, vq_loss, encoding_indices

if __name__ == "__main__":
    import jax
    _d = setup_inputs()
    print(jax.jit(kernel)(*tuple(_d.values())))

</pallas_src>

<mosaic_0001>
#map = affine_map<(d0, d1) -> (0, 0)>
#map1 = affine_map<(d0, d1) -> (0)>
module attributes {stable_mosaic.version = 14 : i64} {
  func.func @_sc_gather(%arg0: i32, %arg1: i32, %arg2: memref<8192x128xf32, #tpu.memory_space<hbm>>, %arg3: memref<9216xi32, #tpu.memory_space<hbm>>, %arg4: memref<589824xf32, #tpu.memory_space<hbm>>, %arg5: memref<9216x128xf32, #tpu.memory_space<hbm>>, %arg6: memref<32x16xf32, #tpu.memory_space<hbm>>, %arg7: memref<288xi32, #tpu.memory_space<vmem>>, %arg8: memref<288x128xf32, #tpu.memory_space<vmem>>, %arg9: memref<18432xf32, #tpu.memory_space<vmem>>, %arg10: memref<16xf32, #tpu.memory_space<vmem>>, %arg11: memref<!tpu.dma_semaphore, #tpu.memory_space<semaphore_mem>>) attributes {dimension_semantics = [#tpu.dimension_semantics<core_parallel>, #tpu.dimension_semantics<subcore_parallel>], iteration_bounds = array<i64: 2, 16>, scalar_prefetch = 0 : i64, scratch_operands = 5 : i64, tpu.core_type = #tpu.core_type<sc_vector_subcore>, window_params = [{transform_indices = #map}, {transform_indices = #map1}, {transform_indices = #map1}, {transform_indices = #map}, {transform_indices = #map}]} {
    %mul3A = arith.constant 2 : i32
    %mul3A_0 = arith.muli %arg1, %mul3A : i32
    %add3A = arith.addi %mul3A_0, %arg0 : i32
    %mul3A_1 = arith.constant 288 : i32
    %mul3A_2 = arith.muli %add3A, %mul3A_1 : i32
    "tpu.region"() ({
      %run_scoped3A = tpu.sem_alloc : memref<!tpu.dma_semaphore, #tpu.memory_space<semaphore_mem>>
      %dma_start3A_68 = tpu.memref_slice %arg3[%mul3A_2] : memref<9216xi32, #tpu.memory_space<hbm>> -> memref<288xi32, #tpu.memory_space<hbm>>
      %dma_start3A_69 = tpu.memref_slice %arg3[%mul3A_2] : memref<9216xi32, #tpu.memory_space<hbm>> -> memref<288xi32, #tpu.memory_space<hbm>>
      tpu.enqueue_dma source(%dma_start3A_69 : memref<288xi32, #tpu.memory_space<hbm>>) target(%arg7 : memref<288xi32, #tpu.memory_space<vmem>>) target_semaphore(%run_scoped3A : memref<!tpu.dma_semaphore, #tpu.memory_space<semaphore_mem>>)
      %dma_wait3A_70 = tpu.memref_slice %arg3[%mul3A_2] : memref<9216xi32, #tpu.memory_space<hbm>> -> memref<288xi32, #tpu.memory_space<hbm>>
      %dma_wait3A_71 = tpu.memref_slice %arg3[%mul3A_2] : memref<9216xi32, #tpu.memory_space<hbm>> -> memref<288xi32, #tpu.memory_space<hbm>>
      tpu.wait_dma2 semaphore(%run_scoped3A : memref<!tpu.dma_semaphore, #tpu.memory_space<semaphore_mem>>) src(%dma_wait3A_71 : memref<288xi32, #tpu.memory_space<hbm>>) dst(%arg7 : memref<288xi32, #tpu.memory_space<vmem>>)
      tpu.yield
    }) : () -> ()
    %dma_start3A = arith.constant 0 : i32
    %dma_start3A_3 = arith.constant 0 : i32
    %dma_start3A_4 = tpu.memref_slice %arg8[%dma_start3A, %dma_start3A_3] : memref<288x128xf32, #tpu.memory_space<vmem>> -> memref<96x128xf32, #tpu.memory_space<vmem>>
    %dma_start3A_5 = arith.constant 0 : i32
    %dma_start3A_6 = tpu.memref_slice %arg7[%dma_start3A_5] : memref<288xi32, #tpu.memory_space<vmem>> -> memref<96xi32, #tpu.memory_space<vmem>>
    %dma_start3A_7 = arith.constant 0 : i32
    %dma_start3A_8 = arith.constant 0 : i32
    %dma_start3A_9 = tpu.memref_slice %arg2[%dma_start3A_7, %dma_start3A_8] : memref<8192x128xf32, #tpu.memory_space<hbm>> -> memref<8192x128xf32, #tpu.memory_space<hbm>>
    tpu.enqueue_indirect_dma source(%dma_start3A_9 : memref<8192x128xf32, #tpu.memory_space<hbm>>) target(%dma_start3A_4 : memref<96x128xf32, #tpu.memory_space<vmem>>) offsets(%dma_start3A_6 : memref<96xi32, #tpu.memory_space<vmem>>) semaphore(%arg11 : memref<!tpu.dma_semaphore, #tpu.memory_space<semaphore_mem>>)
    %dma_start3A_10 = arith.constant 96 : i32
    %dma_start3A_11 = arith.constant 0 : i32
    %dma_start3A_12 = tpu.memref_slice %arg8[%dma_start3A_10, %dma_start3A_11] : memref<288x128xf32, #tpu.memory_space<vmem>> -> memref<96x128xf32, #tpu.memory_space<vmem>>
    %dma_start3A_13 = arith.constant 96 : i32
    %dma_start3A_14 = tpu.memref_slice %arg7[%dma_start3A_13] : memref<288xi32, #tpu.memory_space<vmem>> -> memref<96xi32, #tpu.memory_space<vmem>>
    %dma_start3A_15 = arith.constant 0 : i32
    %dma_start3A_16 = arith.constant 0 : i32
    %dma_start3A_17 = tpu.memref_slice %arg2[%dma_start3A_15, %dma_start3A_16] : memref<8192x128xf32, #tpu.memory_space<hbm>> -> memref<8192x128xf32, #tpu.memory_space<hbm>>
    tpu.enqueue_indirect_dma source(%dma_start3A_17 : memref<8192x128xf32, #tpu.memory_space<hbm>>) target(%dma_start3A_12 : memref<96x128xf32, #tpu.memory_space<vmem>>) offsets(%dma_start3A_14 : memref<96xi32, #tpu.memory_space<vmem>>) semaphore(%arg11 : memref<!tpu.dma_semaphore, #tpu.memory_space<semaphore_mem>>)
    %dma_start3A_18 = arith.constant 192 : i32
    %dma_start3A_19 = arith.constant 0 : i32
    %dma_start3A_20 = tpu.memref_slice %arg8[%dma_start3A_18, %dma_start3A_19] : memref<288x128xf32, #tpu.memory_space<vmem>> -> memref<96x128xf32, #tpu.memory_space<vmem>>
    %dma_start3A_21 = arith.constant 192 : i32
    %dma_start3A_22 = tpu.memref_slice %arg7[%dma_start3A_21] : memref<288xi32, #tpu.memory_space<vmem>> -> memref<96xi32, #tpu.memory_space<vmem>>
    %dma_start3A_23 = arith.constant 0 : i32
    %dma_start3A_24 = arith.constant 0 : i32
    %dma_start3A_25 = tpu.memref_slice %arg2[%dma_start3A_23, %dma_start3A_24] : memref<8192x128xf32, #tpu.memory_space<hbm>> -> memref<8192x128xf32, #tpu.memory_space<hbm>>
    tpu.enqueue_indirect_dma source(%dma_start3A_25 : memref<8192x128xf32, #tpu.memory_space<hbm>>) target(%dma_start3A_20 : memref<96x128xf32, #tpu.memory_space<vmem>>) offsets(%dma_start3A_22 : memref<96xi32, #tpu.memory_space<vmem>>) semaphore(%arg11 : memref<!tpu.dma_semaphore, #tpu.memory_space<semaphore_mem>>)
    %mul3A_26 = arith.constant 64 : i32
    %mul3A_27 = arith.muli %mul3A_2, %mul3A_26 : i32
    "tpu.region"() ({
      %run_scoped3A = tpu.sem_alloc : memref<!tpu.dma_semaphore, #tpu.memory_space<semaphore_mem>>
      %dma_start3A_68 = tpu.memref_slice %arg4[%mul3A_27] : memref<589824xf32, #tpu.memory_space<hbm>> -> memref<18432xf32, #tpu.memory_space<hbm>>
      %dma_start3A_69 = tpu.memref_slice %arg4[%mul3A_27] : memref<589824xf32, #tpu.memory_space<hbm>> -> memref<18432xf32, #tpu.memory_space<hbm>>
      tpu.enqueue_dma source(%dma_start3A_69 : memref<18432xf32, #tpu.memory_space<hbm>>) target(%arg9 : memref<18432xf32, #tpu.memory_space<vmem>>) target_semaphore(%run_scoped3A : memref<!tpu.dma_semaphore, #tpu.memory_space<semaphore_mem>>)
      %dma_wait3A_70 = tpu.memref_slice %arg4[%mul3A_27] : memref<589824xf32, #tpu.memory_space<hbm>> -> memref<18432xf32, #tpu.memory_space<hbm>>
      %dma_wait3A_71 = tpu.memref_slice %arg4[%mul3A_27] : memref<589824xf32, #tpu.memory_space<hbm>> -> memref<18432xf32, #tpu.memory_space<hbm>>
      tpu.wait_dma2 semaphore(%run_scoped3A : memref<!tpu.dma_semaphore, #tpu.memory_space<semaphore_mem>>) src(%dma_wait3A_71 : memref<18432xf32, #tpu.memory_space<hbm>>) dst(%arg9 : memref<18432xf32, #tpu.memory_space<vmem>>)
      tpu.yield
    }) : () -> ()
    %dma_wait3A = arith.constant 0 : i32
    %dma_wait3A_28 = arith.constant 0 : i32
    %dma_wait3A_29 = tpu.memref_slice %arg8[%dma_wait3A, %dma_wait3A_28] : memref<288x128xf32, #tpu.memory_space<vmem>> -> memref<96x128xf32, #tpu.memory_space<vmem>>
    %dma_wait3A_30 = arith.constant 0 : i32
    %dma_wait3A_31 = tpu.memref_slice %arg7[%dma_wait3A_30] : memref<288xi32, #tpu.memory_space<vmem>> -> memref<96xi32, #tpu.memory_space<vmem>>
    %dma_wait3A_32 = arith.constant 0 : i32
    %dma_wait3A_33 = arith.constant 0 : i32
    %dma_wait3A_34 = tpu.memref_slice %arg2[%dma_wait3A_32, %dma_wait3A_33] : memref<8192x128xf32, #tpu.memory_space<hbm>> -> memref<8192x128xf32, #tpu.memory_space<hbm>>
    tpu.wait_indirect_dma semaphore(%arg11 : memref<!tpu.dma_semaphore, #tpu.memory_space<semaphore_mem>>) src(%dma_wait3A_34 : memref<8192x128xf32, #tpu.memory_space<hbm>>) dst(%dma_wait3A_29 : memref<96x128xf32, #tpu.memory_space<vmem>>)
    %dma_wait3A_35 = arith.constant 96 : i32
    %dma_wait3A_36 = arith.constant 0 : i32
    %dma_wait3A_37 = tpu.memref_slice %arg8[%dma_wait3A_35, %dma_wait3A_36] : memref<288x128xf32, #tpu.memory_space<vmem>> -> memref<96x128xf32, #tpu.memory_space<vmem>>
    %dma_wait3A_38 = arith.constant 96 : i32
    %dma_wait3A_39 = tpu.memref_slice %arg7[%dma_wait3A_38] : memref<288xi32, #tpu.memory_space<vmem>> -> memref<96xi32, #tpu.memory_space<vmem>>
    %dma_wait3A_40 = arith.constant 0 : i32
    %dma_wait3A_41 = arith.constant 0 : i32
    %dma_wait3A_42 = tpu.memref_slice %arg2[%dma_wait3A_40, %dma_wait3A_41] : memref<8192x128xf32, #tpu.memory_space<hbm>> -> memref<8192x128xf32, #tpu.memory_space<hbm>>
    tpu.wait_indirect_dma semaphore(%arg11 : memref<!tpu.dma_semaphore, #tpu.memory_space<semaphore_mem>>) src(%dma_wait3A_42 : memref<8192x128xf32, #tpu.memory_space<hbm>>) dst(%dma_wait3A_37 : memref<96x128xf32, #tpu.memory_space<vmem>>)
    %dma_wait3A_43 = arith.constant 192 : i32
    %dma_wait3A_44 = arith.constant 0 : i32
    %dma_wait3A_45 = tpu.memref_slice %arg8[%dma_wait3A_43, %dma_wait3A_44] : memref<288x128xf32, #tpu.memory_space<vmem>> -> memref<96x128xf32, #tpu.memory_space<vmem>>
    %dma_wait3A_46 = arith.constant 192 : i32
    %dma_wait3A_47 = tpu.memref_slice %arg7[%dma_wait3A_46] : memref<288xi32, #tpu.memory_space<vmem>> -> memref<96xi32, #tpu.memory_space<vmem>>
    %dma_wait3A_48 = arith.constant 0 : i32
    %dma_wait3A_49 = arith.constant 0 : i32
    %dma_wait3A_50 = tpu.memref_slice %arg2[%dma_wait3A_48, %dma_wait3A_49] : memref<8192x128xf32, #tpu.memory_space<hbm>> -> memref<8192x128xf32, #tpu.memory_space<hbm>>
    tpu.wait_indirect_dma semaphore(%arg11 : memref<!tpu.dma_semaphore, #tpu.memory_space<semaphore_mem>>) src(%dma_wait3A_50 : memref<8192x128xf32, #tpu.memory_space<hbm>>) dst(%dma_wait3A_45 : memref<96x128xf32, #tpu.memory_space<vmem>>)
    %dma_start3A_51 = arith.constant 0 : i32
    %dma_start3A_52 = tpu.memref_slice %arg5[%mul3A_2, %dma_start3A_51] : memref<9216x128xf32, #tpu.memory_space<hbm>> -> memref<288x128xf32, #tpu.memory_space<hbm>>
    %dma_start3A_53 = arith.constant 0 : i32
    %dma_start3A_54 = tpu.memref_slice %arg5[%mul3A_2, %dma_start3A_53] : memref<9216x128xf32, #tpu.memory_space<hbm>> -> memref<288x128xf32, #tpu.memory_space<hbm>>
    tpu.enqueue_dma source(%arg8 : memref<288x128xf32, #tpu.memory_space<vmem>>) target(%dma_start3A_54 : memref<288x128xf32, #tpu.memory_space<hbm>>) target_semaphore(%arg11 : memref<!tpu.dma_semaphore, #tpu.memory_space<semaphore_mem>>)
    %broadcast_in_dim3A = arith.constant 0.000000e+00 : f32
    %broadcast_in_dim3A_55 = vector.broadcast %broadcast_in_dim3A : f32 to vector<16xf32>
    %scan3A = arith.constant 0 : i32
    %scan3A_56 = arith.constant 288 : i32
    %scan3A_57 = arith.addi %scan3A, %scan3A_56 : i32
    %scan3A_58 = arith.constant 1 : i32
    %scan3A_59 = scf.for %scan3A_68 = %scan3A to %scan3A_57 step %scan3A_58 iter_args(%scan3A_69 = %broadcast_in_dim3A_55) -> (vector<16xf32>)  : i32 {
      %get3A = arith.index_cast %scan3A_68 : i32 to index
      %get3A_70 = arith.constant 0 : index
      %get3A_71 = tpu.vector_load %arg8[%get3A, %get3A_70] {strides = array<i32>} : memref<288x128xf32, #tpu.memory_space<vmem>>, vector<1x16xf32>,
      %get3A_72 = vector.shape_cast %get3A_71 : vector<1x16xf32> to vector<16xf32>
      %mul3A_73 = arith.constant 64 : i32
      %mul3A_74 = arith.muli %scan3A_68, %mul3A_73 : i32
      %add3A_75 = arith.constant 0 : i32
      %add3A_76 = arith.addi %mul3A_74, %add3A_75 : i32
      %get3A_77 = arith.index_cast %add3A_76 : i32 to index
      %get3A_78 = tpu.vector_load %arg9[%get3A_77] {strides = array<i32>} : memref<18432xf32, #tpu.memory_space<vmem>>, vector<16xf32>,
      %get3A_79 = vector.shape_cast %get3A_78 : vector<16xf32> to vector<16xf32>
      %sub3A = arith.subf %get3A_72, %get3A_79 : vector<16xf32>
      %mul3A_80 = arith.mulf %sub3A, %sub3A : vector<16xf32>
      %add3A_81 = arith.addf %scan3A_69, %mul3A_80 : vector<16xf32>
      %get3A_82 = arith.index_cast %scan3A_68 : i32 to index
      %get3A_83 = arith.constant 16 : index
      %get3A_84 = tpu.vector_load %arg8[%get3A_82, %get3A_83] {strides = array<i32>} : memref<288x128xf32, #tpu.memory_space<vmem>>, vector<1x16xf32>,
      %get3A_85 = vector.shape_cast %get3A_84 : vector<1x16xf32> to vector<16xf32>
      %mul3A_86 = arith.constant 64 : i32
      %mul3A_87 = arith.muli %scan3A_68, %mul3A_86 : i32
      %add3A_88 = arith.constant 16 : i32
      %add3A_89 = arith.addi %mul3A_87, %add3A_88 : i32
      %get3A_90 = arith.index_cast %add3A_89 : i32 to index
      %get3A_91 = tpu.vector_load %arg9[%get3A_90] {strides = array<i32>} : memref<18432xf32, #tpu.memory_space<vmem>>, vector<16xf32>,
      %get3A_92 = vector.shape_cast %get3A_91 : vector<16xf32> to vector<16xf32>
      %sub3A_93 = arith.subf %get3A_85, %get3A_92 : vector<16xf32>
      %mul3A_94 = arith.mulf %sub3A_93, %sub3A_93 : vector<16xf32>
      %add3A_95 = arith.addf %add3A_81, %mul3A_94 : vector<16xf32>
      %get3A_96 = arith.index_cast %scan3A_68 : i32 to index
      %get3A_97 = arith.constant 32 : index
      %get3A_98 = tpu.vector_load %arg8[%get3A_96, %get3A_97] {strides = array<i32>} : memref<288x128xf32, #tpu.memory_space<vmem>>, vector<1x16xf32>,
      %get3A_99 = vector.shape_cast %get3A_98 : vector<1x16xf32> to vector<16xf32>
      %mul3A_100 = arith.constant 64 : i32
      %mul3A_101 = arith.muli %scan3A_68, %mul3A_100 : i32
      %add3A_102 = arith.constant 32 : i32
      %add3A_103 = arith.addi %mul3A_101, %add3A_102 : i32
      %get3A_104 = arith.index_cast %add3A_103 : i32 to index
      %get3A_105 = tpu.vector_load %arg9[%get3A_104] {strides = array<i32>} : memref<18432xf32, #tpu.memory_space<vmem>>, vector<16xf32>,
      %get3A_106 = vector.shape_cast %get3A_105 : vector<16xf32> to vector<16xf32>
      %sub3A_107 = arith.subf %get3A_99, %get3A_106 : vector<16xf32>
      %mul3A_108 = arith.mulf %sub3A_107, %sub3A_107 : vector<16xf32>
      %add3A_109 = arith.addf %add3A_95, %mul3A_108 : vector<16xf32>
      %get3A_110 = arith.index_cast %scan3A_68 : i32 to index
      %get3A_111 = arith.constant 48 : index
      %get3A_112 = tpu.vector_load %arg8[%get3A_110, %get3A_111] {strides = array<i32>} : memref<288x128xf32, #tpu.memory_space<vmem>>, vector<1x16xf32>,
      %get3A_113 = vector.shape_cast %get3A_112 : vector<1x16xf32> to vector<16xf32>
      %mul3A_114 = arith.constant 64 : i32
      %mul3A_115 = arith.muli %scan3A_68, %mul3A_114 : i32
      %add3A_116 = arith.constant 48 : i32
      %add3A_117 = arith.addi %mul3A_115, %add3A_116 : i32
      %get3A_118 = arith.index_cast %add3A_117 : i32 to index
      %get3A_119 = tpu.vector_load %arg9[%get3A_118] {strides = array<i32>} : memref<18432xf32, #tpu.memory_space<vmem>>, vector<16xf32>,
      %get3A_120 = vector.shape_cast %get3A_119 : vector<16xf32> to vector<16xf32>
      %sub3A_121 = arith.subf %get3A_113, %get3A_120 : vector<16xf32>
      %mul3A_122 = arith.mulf %sub3A_121, %sub3A_121 : vector<16xf32>
      %add3A_123 = arith.addf %add3A_109, %mul3A_122 : vector<16xf32>
      scf.yield %add3A_123 : vector<16xf32>
    }
    %scan3A_60 = arith.constant 288 : i32
    %swap3A = arith.constant 0 : index
    %swap3A_61 = tpu.vector_load %arg10[%swap3A] {strides = array<i32>} : memref<16xf32, #tpu.memory_space<vmem>>, vector<16xf32>,
    %swap3A_62 = vector.shape_cast %swap3A_61 : vector<16xf32> to vector<16xf32>
    %swap3A_63 = vector.shape_cast %scan3A_59 : vector<16xf32> to vector<16xf32>
    tpu.vector_store %arg10[%swap3A], %swap3A_63 {strides = array<i32>} : memref<16xf32, #tpu.memory_space<vmem>>, vector<16xf32>,
    %dma_wait3A_64 = arith.constant 0 : i32
    %dma_wait3A_65 = tpu.memref_slice %arg5[%mul3A_2, %dma_wait3A_64] : memref<9216x128xf32, #tpu.memory_space<hbm>> -> memref<288x128xf32, #tpu.memory_space<hbm>>
    %dma_wait3A_66 = arith.constant 0 : i32
    %dma_wait3A_67 = tpu.memref_slice %arg5[%mul3A_2, %dma_wait3A_66] : memref<9216x128xf32, #tpu.memory_space<hbm>> -> memref<288x128xf32, #tpu.memory_space<hbm>>
    tpu.wait_dma2 semaphore(%arg11 : memref<!tpu.dma_semaphore, #tpu.memory_space<semaphore_mem>>) src(%arg8 : memref<288x128xf32, #tpu.memory_space<vmem>>) dst(%dma_wait3A_67 : memref<288x128xf32, #tpu.memory_space<hbm>>)
    "tpu.region"() ({
      %run_scoped3A = tpu.sem_alloc : memref<!tpu.dma_semaphore, #tpu.memory_space<semaphore_mem>>
      %dma_start3A_68 = arith.constant 0 : i32
      %dma_start3A_69 = tpu.memref_slice %arg6[%add3A, %dma_start3A_68] : memref<32x16xf32, #tpu.memory_space<hbm>> -> memref<1x16xf32, #tpu.memory_space<hbm>>
      %dma_start3A_70 = tpu.memref_squeeze %dma_start3A_69 : memref<1x16xf32, #tpu.memory_space<hbm>> -> memref<16xf32, #tpu.memory_space<hbm>>
      %dma_start3A_71 = arith.constant 0 : i32
      %dma_start3A_72 = tpu.memref_slice %arg6[%add3A, %dma_start3A_71] : memref<32x16xf32, #tpu.memory_space<hbm>> -> memref<1x16xf32, #tpu.memory_space<hbm>>
      %dma_start3A_73 = tpu.memref_squeeze %dma_start3A_72 : memref<1x16xf32, #tpu.memory_space<hbm>> -> memref<16xf32, #tpu.memory_space<hbm>>
      tpu.enqueue_dma source(%arg10 : memref<16xf32, #tpu.memory_space<vmem>>) target(%dma_start3A_73 : memref<16xf32, #tpu.memory_space<hbm>>) target_semaphore(%run_scoped3A : memref<!tpu.dma_semaphore, #tpu.memory_space<semaphore_mem>>)
      %dma_wait3A_74 = arith.constant 0 : i32
      %dma_wait3A_75 = tpu.memref_slice %arg6[%add3A, %dma_wait3A_74] : memref<32x16xf32, #tpu.memory_space<hbm>> -> memref<1x16xf32, #tpu.memory_space<hbm>>
      %dma_wait3A_76 = tpu.memref_squeeze %dma_wait3A_75 : memref<1x16xf32, #tpu.memory_space<hbm>> -> memref<16xf32, #tpu.memory_space<hbm>>
      %dma_wait3A_77 = arith.constant 0 : i32
      %dma_wait3A_78 = tpu.memref_slice %arg6[%add3A, %dma_wait3A_77] : memref<32x16xf32, #tpu.memory_space<hbm>> -> memref<1x16xf32, #tpu.memory_space<hbm>>
      %dma_wait3A_79 = tpu.memref_squeeze %dma_wait3A_78 : memref<1x16xf32, #tpu.memory_space<hbm>> -> memref<16xf32, #tpu.memory_space<hbm>>
      tpu.wait_dma2 semaphore(%run_scoped3A : memref<!tpu.dma_semaphore, #tpu.memory_space<semaphore_mem>>) src(%arg10 : memref<16xf32, #tpu.memory_space<vmem>>) dst(%dma_wait3A_79 : memref<16xf32, #tpu.memory_space<hbm>>)
      tpu.yield
    }) : () -> ()
    return
  }
}

module attributes {stable_mosaic.version = 14 : i64} {
  func.func @_tc_body(%arg0: i32, %arg1: memref<9216x64xf32, #tpu.memory_space<vmem>>, %arg2: memref<8192x64xf32, #tpu.memory_space<vmem>>, %arg3: memref<64x64xf32, #tpu.memory_space<vmem>>, %arg4: memref<1x64xf32, #tpu.memory_space<vmem>>, %arg5: memref<512x1xi32, #tpu.memory_space<vmem>>, %arg6: memref<8192x128xf32, #tpu.memory_space<vmem>>, %arg7: memref<8192x64xf32, #tpu.memory_space<vmem>>, %arg8: memref<1x128xf32, #tpu.memory_space<vmem>>, %arg9: memref<9216x64xf32, #tpu.memory_space<vmem>>) attributes {dimension_semantics = [#tpu.dimension_semantics<arbitrary>], iteration_bounds = array<i64: 18>, scalar_prefetch = 0 : i64, scratch_operands = 3 : i64, tpu.core_type = #tpu.core_type<tc>, window_params = [{pipeline_mode = #tpu.pipeline_mode<synchronous>, transform_indices = @transform_0, window_bounds = array<i64: 9216, 64>}, {pipeline_mode = #tpu.pipeline_mode<synchronous>, transform_indices = @transform_1, window_bounds = array<i64: 8192, 64>}, {pipeline_mode = #tpu.pipeline_mode<synchronous>, transform_indices = @transform_2, window_bounds = array<i64: 64, 64>}, {pipeline_mode = #tpu.pipeline_mode<synchronous>, transform_indices = @transform_3, window_bounds = array<i64: 1, 64>}, {transform_indices = @transform_4, window_bounds = array<i64: 512, 1>}, {pipeline_mode = #tpu.pipeline_mode<synchronous>, transform_indices = @transform_5, window_bounds = array<i64: 8192, 128>}]} {
    %eq3A = arith.constant 0 : i32
    %eq3A_0 = arith.cmpi eq, %arg0, %eq3A : i32
    %convert_element_type3A = arith.extui %eq3A_0 : i1 to i32
    %cond3A = arith.constant 0 : i32
    %cond3A_1 = arith.cmpi ne, %convert_element_type3A, %cond3A : i32
    scf.if %cond3A_1 {
      %iota3A = tpu.iota {dimensions = array<i32: 1>} : vector<1x128xi32>
      %convert_element_type3A_412 = arith.sitofp %iota3A : vector<1x128xi32> to vector<1x128xf32>
      %swap3A_413 = arith.constant 0 : index
      %swap3A_414 = arith.constant 0 : index
      %swap3A_415 = vector.load %arg8[%swap3A_413, %swap3A_414] : memref<1x128xf32, #tpu.memory_space<vmem>>, vector<1x128xf32>
      tpu.vector_store %arg8[%swap3A_413, %swap3A_414], %convert_element_type3A_412 {strides = array<i32>} : memref<1x128xf32, #tpu.memory_space<vmem>>, vector<1x128xf32>,
      %get3A_416 = arith.constant 0 : index
      %get3A_417 = arith.constant 0 : index
      %get3A_418 = vector.load %arg2[%get3A_416, %get3A_417] : memref<8192x64xf32, #tpu.memory_space<vmem>>, vector<8192x64xf32>
      %get3A_419 = arith.constant 0 : index
      %get3A_420 = arith.constant 0 : index
      %get3A_421 = vector.load %arg3[%get3A_419, %get3A_420] : memref<64x64xf32, #tpu.memory_space<vmem>>, vector<64x64xf32>
      %dot_general3A_422 = arith.constant dense<0.000000e+00> : vector<8192x64xf32>
      %dot_general3A_423 = tpu.matmul %get3A_418, %get3A_421, %dot_general3A_422 {dimension_numbers = #tpu.dot_dimension_numbers<[1], [1], [0], [0], [0, 0, 1, 0], [], []>, transpose_lhs_hint = false} : vector<8192x64xf32>, vector<64x64xf32>, vector<8192x64xf32> -> vector<8192x64xf32>
      %get3A_424 = arith.constant 0 : index
      %get3A_425 = arith.constant 0 : index
      %get3A_426 = vector.load %arg4[%get3A_424, %get3A_425] : memref<1x64xf32, #tpu.memory_space<vmem>>, vector<1x64xf32>
      %add3A_427 = vector.broadcast %get3A_426 : vector<1x64xf32> to vector<8192x64xf32>
      %add3A_428 = arith.addf %dot_general3A_423, %add3A_427 : vector<8192x64xf32>
      %broadcast_in_dim3A_429 = arith.constant 0.000000e+00 : f32
      %broadcast_in_dim3A_430 = vector.broadcast %broadcast_in_dim3A_429 : f32 to vector<8192x64xf32>
      %concatenate3A = tpu.concatenate %add3A_428, %broadcast_in_dim3A_430 in 1 : vector<8192x64xf32>, vector<8192x64xf32> -> vector<8192x128xf32>
      %swap3A_431 = arith.constant 0 : index
      %swap3A_432 = arith.constant 0 : index
      %swap3A_433 = vector.load %arg6[%swap3A_431, %swap3A_432] : memref<8192x128xf32, #tpu.memory_space<vmem>>, vector<8192x128xf32>
      tpu.vector_store %arg6[%swap3A_431, %swap3A_432], %concatenate3A {strides = array<i32>} : memref<8192x128xf32, #tpu.memory_space<vmem>>, vector<8192x128xf32>,
      %mul3A_434 = arith.mulf %add3A_428, %add3A_428 : vector<8192x64xf32>
      %reduce_sum3A = arith.constant dense<0.000000e+00> : vector<8192xf32>
      %reduce_sum3A_435 = vector.multi_reduction <add>, %mul3A_434, %reduce_sum3A [1] : vector<8192x64xf32> to vector<8192xf32>
      %broadcast_in_dim3A_436 = vector.shape_cast %reduce_sum3A_435 : vector<8192xf32> to vector<8192x1xf32>
      %sqrt3A = math.sqrt %broadcast_in_dim3A_436 : vector<8192x1xf32>
      %max3A_437 = arith.constant 9.99999996E-13 : f32
      %max3A_438 = vector.broadcast %max3A_437 : f32 to vector<8192x1xf32>
      %max3A_439 = arith.maximumf %sqrt3A, %max3A_438 : vector<8192x1xf32>
      %div3A = vector.broadcast %max3A_439 : vector<8192x1xf32> to vector<8192x64xf32>
      %div3A_440 = arith.divf %add3A_428, %div3A : vector<8192x64xf32>
      %swap3A_441 = arith.constant 0 : index
      %swap3A_442 = arith.constant 0 : index
      %swap3A_443 = vector.load %arg7[%swap3A_441, %swap3A_442] : memref<8192x64xf32, #tpu.memory_space<vmem>>, vector<8192x64xf32>
      tpu.vector_store %arg7[%swap3A_441, %swap3A_442], %div3A_440 {strides = array<i32>} : memref<8192x64xf32, #tpu.memory_space<vmem>>, vector<8192x64xf32>,
      %get3A_444 = arith.constant 0 : index
      %get3A_445 = arith.constant 0 : index
      %get3A_446 = vector.load %arg1[%get3A_444, %get3A_445] : memref<9216x64xf32, #tpu.memory_space<vmem>>, vector<9216x64xf32>
      %mul3A_447 = arith.mulf %get3A_446, %get3A_446 : vector<9216x64xf32>
      %reduce_sum3A_448 = arith.constant dense<0.000000e+00> : vector<9216xf32>
      %reduce_sum3A_449 = vector.multi_reduction <add>, %mul3A_447, %reduce_sum3A_448 [1] : vector<9216x64xf32> to vector<9216xf32>
      %broadcast_in_dim3A_450 = vector.shape_cast %reduce_sum3A_449 : vector<9216xf32> to vector<9216x1xf32>
      %sqrt3A_451 = math.sqrt %broadcast_in_dim3A_450 : vector<9216x1xf32>
      %max3A_452 = arith.constant 9.99999996E-13 : f32
      %max3A_453 = vector.broadcast %max3A_452 : f32 to vector<9216x1xf32>
      %max3A_454 = arith.maximumf %sqrt3A_451, %max3A_453 : vector<9216x1xf32>
      %div3A_455 = vector.broadcast %max3A_454 : vector<9216x1xf32> to vector<9216x64xf32>
      %div3A_456 = arith.divf %get3A_446, %div3A_455 : vector<9216x64xf32>
      %swap3A_457 = arith.constant 0 : index
      %swap3A_458 = arith.constant 0 : index
      %swap3A_459 = vector.load %arg9[%swap3A_457, %swap3A_458] : memref<9216x64xf32, #tpu.memory_space<vmem>>, vector<9216x64xf32>
      tpu.vector_store %arg9[%swap3A_457, %swap3A_458], %div3A_456 {strides = array<i32>} : memref<9216x64xf32, #tpu.memory_space<vmem>>, vector<9216x64xf32>,
    } else {
    }
    %mul3A = arith.constant 512 : i32
    %mul3A_2 = arith.muli %arg0, %mul3A : i32
    %get3A = arith.index_cast %mul3A_2 : i32 to index
    %get3A_3 = arith.constant 0 : index
    %get3A_4 = vector.load %arg9[%get3A, %get3A_3] : memref<9216x64xf32, #tpu.memory_space<vmem>>, vector<512x64xf32>
    %get3A_5 = arith.constant 0 : index
    %get3A_6 = arith.constant 0 : index
    %get3A_7 = vector.load %arg7[%get3A_5, %get3A_6] : memref<8192x64xf32, #tpu.memory_space<vmem>>, vector<8192x64xf32>
    %dot_general3A = arith.constant dense<0.000000e+00> : vector<512x8192xf32>
    %dot_general3A_8 = tpu.matmul %get3A_4, %get3A_7, %dot_general3A {dimension_numbers = #tpu.dot_dimension_numbers<[1], [1], [0], [0], [0, 0, 1, 0], [], []>, transpose_lhs_hint = false} : vector<512x64xf32>, vector<8192x64xf32>, vector<512x8192xf32> -> vector<512x8192xf32>
    %slice3A = vector.extract_strided_slice %dot_general3A_8 {offsets = [0, 0], sizes = [512, 128], strides = [1, 1]} : vector<512x8192xf32> to vector<512x128xf32>
    %broadcast_in_dim3A = arith.constant 0.000000e+00 : f32
    %broadcast_in_dim3A_9 = vector.broadcast %broadcast_in_dim3A : f32 to vector<512x128xf32>
    %slice3A_10 = vector.extract_strided_slice %dot_general3A_8 {offsets = [0, 128], sizes = [512, 128], strides = [1, 1]} : vector<512x8192xf32> to vector<512x128xf32>
    %gt3A = arith.cmpf ogt, %slice3A_10, %slice3A : vector<512x128xf32>
    %max3A = arith.maximumf %slice3A, %slice3A_10 : vector<512x128xf32>
    %jit3A = arith.constant 1.000000e+00 : f32
    %broadcast_in_dim3A_11 = vector.broadcast %jit3A : f32 to vector<512x128xf32>
    %select_n3A = arith.select %gt3A, %broadcast_in_dim3A_11, %broadcast_in_dim3A_9 : vector<512x128xi1>, vector<512x128xf32>
    %slice3A_12 = vector.extract_strided_slice %dot_general3A_8 {offsets = [0, 256], sizes = [512, 128], strides = [1, 1]} : vector<512x8192xf32> to vector<512x128xf32>
    %gt3A_13 = arith.cmpf ogt, %slice3A_12, %max3A : vector<512x128xf32>
    %max3A_14 = arith.maximumf %max3A, %slice3A_12 : vector<512x128xf32>
    %jit3A_15 = arith.constant 2.000000e+00 : f32
    %broadcast_in_dim3A_16 = vector.broadcast %jit3A_15 : f32 to vector<512x128xf32>
    %select_n3A_17 = arith.select %gt3A_13, %broadcast_in_dim3A_16, %select_n3A : vector<512x128xi1>, vector<512x128xf32>
    %slice3A_18 = vector.extract_strided_slice %dot_general3A_8 {offsets = [0, 384], sizes = [512, 128], strides = [1, 1]} : vector<512x8192xf32> to vector<512x128xf32>
    %gt3A_19 = arith.cmpf ogt, %slice3A_18, %max3A_14 : vector<512x128xf32>
    %max3A_20 = arith.maximumf %max3A_14, %slice3A_18 : vector<512x128xf32>
    %jit3A_21 = arith.constant 3.000000e+00 : f32
    %broadcast_in_dim3A_22 = vector.broadcast %jit3A_21 : f32 to vector<512x128xf32>
    %select_n3A_23 = arith.select %gt3A_19, %broadcast_in_dim3A_22, %select_n3A_17 : vector<512x128xi1>, vector<512x128xf32>
    %slice3A_24 = vector.extract_strided_slice %dot_general3A_8 {offsets = [0, 512], sizes = [512, 128], strides = [1, 1]} : vector<512x8192xf32> to vector<512x128xf32>
    %gt3A_25 = arith.cmpf ogt, %slice3A_24, %max3A_20 : vector<512x128xf32>
    %max3A_26 = arith.maximumf %max3A_20, %slice3A_24 : vector<512x128xf32>
    %jit3A_27 = arith.constant 4.000000e+00 : f32
    %broadcast_in_dim3A_28 = vector.broadcast %jit3A_27 : f32 to vector<512x128xf32>
    %select_n3A_29 = arith.select %gt3A_25, %broadcast_in_dim3A_28, %select_n3A_23 : vector<512x128xi1>, vector<512x128xf32>
    %slice3A_30 = vector.extract_strided_slice %dot_general3A_8 {offsets = [0, 640], sizes = [512, 128], strides = [1, 1]} : vector<512x8192xf32> to vector<512x128xf32>
    %gt3A_31 = arith.cmpf ogt, %slice3A_30, %max3A_26 : vector<512x128xf32>
    %max3A_32 = arith.maximumf %max3A_26, %slice3A_30 : vector<512x128xf32>
    %jit3A_33 = arith.constant 5.000000e+00 : f32
    %broadcast_in_dim3A_34 = vector.broadcast %jit3A_33 : f32 to vector<512x128xf32>
    %select_n3A_35 = arith.select %gt3A_31, %broadcast_in_dim3A_34, %select_n3A_29 : vector<512x128xi1>, vector<512x128xf32>
    %slice3A_36 = vector.extract_strided_slice %dot_general3A_8 {offsets = [0, 768], sizes = [512, 128], strides = [1, 1]} : vector<512x8192xf32> to vector<512x128xf32>
    %gt3A_37 = arith.cmpf ogt, %slice3A_36, %max3A_32 : vector<512x128xf32>
    %max3A_38 = arith.maximumf %max3A_32, %slice3A_36 : vector<512x128xf32>
    %jit3A_39 = arith.constant 6.000000e+00 : f32
    %broadcast_in_dim3A_40 = vector.broadcast %jit3A_39 : f32 to vector<512x128xf32>
    %select_n3A_41 = arith.select %gt3A_37, %broadcast_in_dim3A_40, %select_n3A_35 : vector<512x128xi1>, vector<512x128xf32>
    %slice3A_42 = vector.extract_strided_slice %dot_general3A_8 {offsets = [0, 896], sizes = [512, 128], strides = [1, 1]} : vector<512x8192xf32> to vector<512x128xf32>
    %gt3A_43 = arith.cmpf ogt, %slice3A_42, %max3A_38 : vector<512x128xf32>
    %max3A_44 = arith.maximumf %max3A_38, %slice3A_42 : vector<512x128xf32>
    %jit3A_45 = arith.constant 7.000000e+00 : f32
    %broadcast_in_dim3A_46 = vector.broadcast %jit3A_45 : f32 to vector<512x128xf32>
    %select_n3A_47 = arith.select %gt3A_43, %broadcast_in_dim3A_46, %select_n3A_41 : vector<512x128xi1>, vector<512x128xf32>
    %slice3A_48 = vector.extract_strided_slice %dot_general3A_8 {offsets = [0, 1024], sizes = [512, 128], strides = [1, 1]} : vector<512x8192xf32> to vector<512x128xf32>
    %gt3A_49 = arith.cmpf ogt, %slice3A_48, %max3A_44 : vector<512x128xf32>
    %max3A_50 = arith.maximumf %max3A_44, %slice3A_48 : vector<512x128xf32>
    %jit3A_51 = arith.constant 8.000000e+00 : f32
    %broadcast_in_dim3A_52 = vector.broadcast %jit3A_51 : f32 to vector<512x128xf32>
    %select_n3A_53 = arith.select %gt3A_49, %broadcast_in_dim3A_52, %select_n3A_47 : vector<512x128xi1>, vector<512x128xf32>
    %slice3A_54 = vector.extract_strided_slice %dot_general3A_8 {offsets = [0, 1152], sizes = [512, 128], strides = [1, 1]} : vector<512x8192xf32> to vector<512x128xf32>
    %gt3A_55 = arith.cmpf ogt, %slice3A_54, %max3A_50 : vector<512x128xf32>
    %max3A_56 = arith.maximumf %max3A_50, %slice3A_54 : vector<512x128xf32>
    %jit3A_57 = arith.constant 9.000000e+00 : f32
    %broadcast_in_dim3A_58 = vector.broadcast %jit3A_57 : f32 to vector<512x128xf32>
    %select_n3A_59 = arith.select %gt3A_55, %broadcast_in_dim3A_58, %select_n3A_53 : vector<512x128xi1>, vector<512x128xf32>
    %slice3A_60 = vector.extract_strided_slice %dot_general3A_8 {offsets = [0, 1280], sizes = [512, 128], strides = [1, 1]} : vector<512x8192xf32> to vector<512x128xf32>
    %gt3A_61 = arith.cmpf ogt, %slice3A_60, %max3A_56 : vector<512x128xf32>
    %max3A_62 = arith.maximumf %max3A_56, %slice3A_60 : vector<512x128xf32>
    %jit3A_63 = arith.constant 1.000000e+01 : f32
    %broadcast_in_dim3A_64 = vector.broadcast %jit3A_63 : f32 to vector<512x128xf32>
    %select_n3A_65 = arith.select %gt3A_61, %broadcast_in_dim3A_64, %select_n3A_59 : vector<512x128xi1>, vector<512x128xf32>
    %slice3A_66 = vector.extract_strided_slice %dot_general3A_8 {offsets = [0, 1408], sizes = [512, 128], strides = [1, 1]} : vector<512x8192xf32> to vector<512x128xf32>
    %gt3A_67 = arith.cmpf ogt, %slice3A_66, %max3A_62 : vector<512x128xf32>
    %max3A_68 = arith.maximumf %max3A_62, %slice3A_66 : vector<512x128xf32>
    %jit3A_69 = arith.constant 1.100000e+01 : f32
    %broadcast_in_dim3A_70 = vector.broadcast %jit3A_69 : f32 to vector<512x128xf32>
    %select_n3A_71 = arith.select %gt3A_67, %broadcast_in_dim3A_70, %select_n3A_65 : vector<512x128xi1>, vector<512x128xf32>
    %slice3A_72 = vector.extract_strided_slice %dot_general3A_8 {offsets = [0, 1536], sizes = [512, 128], strides = [1, 1]} : vector<512x8192xf32> to vector<512x128xf32>
    %gt3A_73 = arith.cmpf ogt, %slice3A_72, %max3A_68 : vector<512x128xf32>
    %max3A_74 = arith.maximumf %max3A_68, %slice3A_72 : vector<512x128xf32>
    %jit3A_75 = arith.constant 1.200000e+01 : f32
    %broadcast_in_dim3A_76 = vector.broadcast %jit3A_75 : f32 to vector<512x128xf32>
    %select_n3A_77 = arith.select %gt3A_73, %broadcast_in_dim3A_76, %select_n3A_71 : vector<512x128xi1>, vector<512x128xf32>
    %slice3A_78 = vector.extract_strided_slice %dot_general3A_8 {offsets = [0, 1664], sizes = [512, 128], strides = [1, 1]} : vector<512x8192xf32> to vector<512x128xf32>
    %gt3A_79 = arith.cmpf ogt, %slice3A_78, %max3A_74 : vector<512x128xf32>
    %max3A_80 = arith.maximumf %max3A_74, %slice3A_78 : vector<512x128xf32>
    %jit3A_81 = arith.constant 1.300000e+01 : f32
    %broadcast_in_dim3A_82 = vector.broadcast %jit3A_81 : f32 to vector<512x128xf32>
    %select_n3A_83 = arith.select %gt3A_79, %broadcast_in_dim3A_82, %select_n3A_77 : vector<512x128xi1>, vector<512x128xf32>
    %slice3A_84 = vector.extract_strided_slice %dot_general3A_8 {offsets = [0, 1792], sizes = [512, 128], strides = [1, 1]} : vector<512x8192xf32> to vector<512x128xf32>
    %gt3A_85 = arith.cmpf ogt, %slice3A_84, %max3A_80 : vector<512x128xf32>
    %max3A_86 = arith.maximumf %max3A_80, %slice3A_84 : vector<512x128xf32>
    %jit3A_87 = arith.constant 1.400000e+01 : f32
    %broadcast_in_dim3A_88 = vector.broadcast %jit3A_87 : f32 to vector<512x128xf32>
    %select_n3A_89 = arith.select %gt3A_85, %broadcast_in_dim3A_88, %select_n3A_83 : vector<512x128xi1>, vector<512x128xf32>
    %slice3A_90 = vector.extract_strided_slice %dot_general3A_8 {offsets = [0, 1920], sizes = [512, 128], strides = [1, 1]} : vector<512x8192xf32> to vector<512x128xf32>
    %gt3A_91 = arith.cmpf ogt, %slice3A_90, %max3A_86 : vector<512x128xf32>
    %max3A_92 = arith.maximumf %max3A_86, %slice3A_90 : vector<512x128xf32>
    %jit3A_93 = arith.constant 1.500000e+01 : f32
    %broadcast_in_dim3A_94 = vector.broadcast %jit3A_93 : f32 to vector<512x128xf32>
    %select_n3A_95 = arith.select %gt3A_91, %broadcast_in_dim3A_94, %select_n3A_89 : vector<512x128xi1>, vector<512x128xf32>
    %slice3A_96 = vector.extract_strided_slice %dot_general3A_8 {offsets = [0, 2048], sizes = [512, 128], strides = [1, 1]} : vector<512x8192xf32> to vector<512x128xf32>
    %gt3A_97 = arith.cmpf ogt, %slice3A_96, %max3A_92 : vector<512x128xf32>
    %max3A_98 = arith.maximumf %max3A_92, %slice3A_96 : vector<512x128xf32>
    %jit3A_99 = arith.constant 1.600000e+01 : f32
    %broadcast_in_dim3A_100 = vector.broadcast %jit3A_99 : f32 to vector<512x128xf32>
    %select_n3A_101 = arith.select %gt3A_97, %broadcast_in_dim3A_100, %select_n3A_95 : vector<512x128xi1>, vector<512x128xf32>
    %slice3A_102 = vector.extract_strided_slice %dot_general3A_8 {offsets = [0, 2176], sizes = [512, 128], strides = [1, 1]} : vector<512x8192xf32> to vector<512x128xf32>
    %gt3A_103 = arith.cmpf ogt, %slice3A_102, %max3A_98 : vector<512x128xf32>
    %max3A_104 = arith.maximumf %max3A_98, %slice3A_102 : vector<512x128xf32>
    %jit3A_105 = arith.constant 1.700000e+01 : f32
    %broadcast_in_dim3A_106 = vector.broadcast %jit3A_105 : f32 to vector<512x128xf32>
    %select_n3A_107 = arith.select %gt3A_103, %broadcast_in_dim3A_106, %select_n3A_101 : vector<512x128xi1>, vector<512x128xf32>
    %slice3A_108 = vector.extract_strided_slice %dot_general3A_8 {offsets = [0, 2304], sizes = [512, 128], strides = [1, 1]} : vector<512x8192xf32> to vector<512x128xf32>
    %gt3A_109 = arith.cmpf ogt, %slice3A_108, %max3A_104 : vector<512x128xf32>
    %max3A_110 = arith.maximumf %max3A_104, %slice3A_108 : vector<512x128xf32>
    %jit3A_111 = arith.constant 1.800000e+01 : f32
    %broadcast_in_dim3A_112 = vector.broadcast %jit3A_111 : f32 to vector<512x128xf32>
    %select_n3A_113 = arith.select %gt3A_109, %broadcast_in_dim3A_112, %select_n3A_107 : vector<512x128xi1>, vector<512x128xf32>
    %slice3A_114 = vector.extract_strided_slice %dot_general3A_8 {offsets = [0, 2432], sizes = [512, 128], strides = [1, 1]} : vector<512x8192xf32> to vector<512x128xf32>
    %gt3A_115 = arith.cmpf ogt, %slice3A_114, %max3A_110 : vector<512x128xf32>
    %max3A_116 = arith.maximumf %max3A_110, %slice3A_114 : vector<512x128xf32>
    %jit3A_117 = arith.constant 1.900000e+01 : f32
    %broadcast_in_dim3A_118 = vector.broadcast %jit3A_117 : f32 to vector<512x128xf32>
    %select_n3A_119 = arith.select %gt3A_115, %broadcast_in_dim3A_118, %select_n3A_113 : vector<512x128xi1>, vector<512x128xf32>
    %slice3A_120 = vector.extract_strided_slice %dot_general3A_8 {offsets = [0, 2560], sizes = [512, 128], strides = [1, 1]} : vector<512x8192xf32> to vector<512x128xf32>
    %gt3A_121 = arith.cmpf ogt, %slice3A_120, %max3A_116 : vector<512x128xf32>
    %max3A_122 = arith.maximumf %max3A_116, %slice3A_120 : vector<512x128xf32>
    %jit3A_123 = arith.constant 2.000000e+01 : f32
    %broadcast_in_dim3A_124 = vector.broadcast %jit3A_123 : f32 to vector<512x128xf32>
    %select_n3A_125 = arith.select %gt3A_121, %broadcast_in_dim3A_124, %select_n3A_119 : vector<512x128xi1>, vector<512x128xf32>
    %slice3A_126 = vector.extract_strided_slice %dot_general3A_8 {offsets = [0, 2688], sizes = [512, 128], strides = [1, 1]} : vector<512x8192xf32> to vector<512x128xf32>
    %gt3A_127 = arith.cmpf ogt, %slice3A_126, %max3A_122 : vector<512x128xf32>
    %max3A_128 = arith.maximumf %max3A_122, %slice3A_126 : vector<512x128xf32>
    %jit3A_129 = arith.constant 2.100000e+01 : f32
    %broadcast_in_dim3A_130 = vector.broadcast %jit3A_129 : f32 to vector<512x128xf32>
    %select_n3A_131 = arith.select %gt3A_127, %broadcast_in_dim3A_130, %select_n3A_125 : vector<512x128xi1>, vector<512x128xf32>
    %slice3A_132 = vector.extract_strided_slice %dot_general3A_8 {offsets = [0, 2816], sizes = [512, 128], strides = [1, 1]} : vector<512x8192xf32> to vector<512x128xf32>
    %gt3A_133 = arith.cmpf ogt, %slice3A_132, %max3A_128 : vector<512x128xf32>
    %max3A_134 = arith.maximumf %max3A_128, %slice3A_132 : vector<512x128xf32>
    %jit3A_135 = arith.constant 2.200000e+01 : f32
    %broadcast_in_dim3A_136 = vector.broadcast %jit3A_135 : f32 to vector<512x128xf32>
    %select_n3A_137 = arith.select %gt3A_133, %broadcast_in_dim3A_136, %select_n3A_131 : vector<512x128xi1>, vector<512x128xf32>
    %slice3A_138 = vector.extract_strided_slice %dot_general3A_8 {offsets = [0, 2944], sizes = [512, 128], strides = [1, 1]} : vector<512x8192xf32> to vector<512x128xf32>
    %gt3A_139 = arith.cmpf ogt, %slice3A_138, %max3A_134 : vector<512x128xf32>
    %max3A_140 = arith.maximumf %max3A_134, %slice3A_138 : vector<512x128xf32>
    %jit3A_141 = arith.constant 2.300000e+01 : f32
    %broadcast_in_dim3A_142 = vector.broadcast %jit3A_141 : f32 to vector<512x128xf32>
    %select_n3A_143 = arith.select %gt3A_139, %broadcast_in_dim3A_142, %select_n3A_137 : vector<512x128xi1>, vector<512x128xf32>
    %slice3A_144 = vector.extract_strided_slice %dot_general3A_8 {offsets = [0, 3072], sizes = [512, 128], strides = [1, 1]} : vector<512x8192xf32> to vector<512x128xf32>
    %gt3A_145 = arith.cmpf ogt, %slice3A_144, %max3A_140 : vector<512x128xf32>
    %max3A_146 = arith.maximumf %max3A_140, %slice3A_144 : vector<512x128xf32>
    %jit3A_147 = arith.constant 2.400000e+01 : f32
    %broadcast_in_dim3A_148 = vector.broadcast %jit3A_147 : f32 to vector<512x128xf32>
    %select_n3A_149 = arith.select %gt3A_145, %broadcast_in_dim3A_148, %select_n3A_143 : vector<512x128xi1>, vector<512x128xf32>
    %slice3A_150 = vector.extract_strided_slice %dot_general3A_8 {offsets = [0, 3200], sizes = [512, 128], strides = [1, 1]} : vector<512x8192xf32> to vector<512x128xf32>
    %gt3A_151 = arith.cmpf ogt, %slice3A_150, %max3A_146 : vector<512x128xf32>
    %max3A_152 = arith.maximumf %max3A_146, %slice3A_150 : vector<512x128xf32>
    %jit3A_153 = arith.constant 2.500000e+01 : f32
    %broadcast_in_dim3A_154 = vector.broadcast %jit3A_153 : f32 to vector<512x128xf32>
    %select_n3A_155 = arith.select %gt3A_151, %broadcast_in_dim3A_154, %select_n3A_149 : vector<512x128xi1>, vector<512x128xf32>
    %slice3A_156 = vector.extract_strided_slice %dot_general3A_8 {offsets = [0, 3328], sizes = [512, 128], strides = [1, 1]} : vector<512x8192xf32> to vector<512x128xf32>
    %gt3A_157 = arith.cmpf ogt, %slice3A_156, %max3A_152 : vector<512x128xf32>
    %max3A_158 = arith.maximumf %max3A_152, %slice3A_156 : vector<512x128xf32>
    %jit3A_159 = arith.constant 2.600000e+01 : f32
    %broadcast_in_dim3A_160 = vector.broadcast %jit3A_159 : f32 to vector<512x128xf32>
    %select_n3A_161 = arith.select %gt3A_157, %broadcast_in_dim3A_160, %select_n3A_155 : vector<512x128xi1>, vector<512x128xf32>
    %slice3A_162 = vector.extract_strided_slice %dot_general3A_8 {offsets = [0, 3456], sizes = [512, 128], strides = [1, 1]} : vector<512x8192xf32> to vector<512x128xf32>
    %gt3A_163 = arith.cmpf ogt, %slice3A_162, %max3A_158 : vector<512x128xf32>
    %max3A_164 = arith.maximumf %max3A_158, %slice3A_162 : vector<512x128xf32>
    %jit3A_165 = arith.constant 2.700000e+01 : f32
    %broadcast_in_dim3A_166 = vector.broadcast %jit3A_165 : f32 to vector<512x128xf32>
    %select_n3A_167 = arith.select %gt3A_163, %broadcast_in_dim3A_166, %select_n3A_161 : vector<512x128xi1>, vector<512x128xf32>
    %slice3A_168 = vector.extract_strided_slice %dot_general3A_8 {offsets = [0, 3584], sizes = [512, 128], strides = [1, 1]} : vector<512x8192xf32> to vector<512x128xf32>
    %gt3A_169 = arith.cmpf ogt, %slice3A_168, %max3A_164 : vector<512x128xf32>
    %max3A_170 = arith.maximumf %max3A_164, %slice3A_168 : vector<512x128xf32>
    %jit3A_171 = arith.constant 2.800000e+01 : f32
    %broadcast_in_dim3A_172 = vector.broadcast %jit3A_171 : f32 to vector<512x128xf32>
    %select_n3A_173 = arith.select %gt3A_169, %broadcast_in_dim3A_172, %select_n3A_167 : vector<512x128xi1>, vector<512x128xf32>
    %slice3A_174 = vector.extract_strided_slice %dot_general3A_8 {offsets = [0, 3712], sizes = [512, 128], strides = [1, 1]} : vector<512x8192xf32> to vector<512x128xf32>
    %gt3A_175 = arith.cmpf ogt, %slice3A_174, %max3A_170 : vector<512x128xf32>
    %max3A_176 = arith.maximumf %max3A_170, %slice3A_174 : vector<512x128xf32>
    %jit3A_177 = arith.constant 2.900000e+01 : f32
    %broadcast_in_dim3A_178 = vector.broadcast %jit3A_177 : f32 to vector<512x128xf32>
    %select_n3A_179 = arith.select %gt3A_175, %broadcast_in_dim3A_178, %select_n3A_173 : vector<512x128xi1>, vector<512x128xf32>
    %slice3A_180 = vector.extract_strided_slice %dot_general3A_8 {offsets = [0, 3840], sizes = [512, 128], strides = [1, 1]} : vector<512x8192xf32> to vector<512x128xf32>
    %gt3A_181 = arith.cmpf ogt, %slice3A_180, %max3A_176 : vector<512x128xf32>
    %max3A_182 = arith.maximumf %max3A_176, %slice3A_180 : vector<512x128xf32>
    %jit3A_183 = arith.constant 3.000000e+01 : f32
    %broadcast_in_dim3A_184 = vector.broadcast %jit3A_183 : f32 to vector<512x128xf32>
    %select_n3A_185 = arith.select %gt3A_181, %broadcast_in_dim3A_184, %select_n3A_179 : vector<512x128xi1>, vector<512x128xf32>
    %slice3A_186 = vector.extract_strided_slice %dot_general3A_8 {offsets = [0, 3968], sizes = [512, 128], strides = [1, 1]} : vector<512x8192xf32> to vector<512x128xf32>
    %gt3A_187 = arith.cmpf ogt, %slice3A_186, %max3A_182 : vector<512x128xf32>
    %max3A_188 = arith.maximumf %max3A_182, %slice3A_186 : vector<512x128xf32>
    %jit3A_189 = arith.constant 3.100000e+01 : f32
    %broadcast_in_dim3A_190 = vector.broadcast %jit3A_189 : f32 to vector<512x128xf32>
    %select_n3A_191 = arith.select %gt3A_187, %broadcast_in_dim3A_190, %select_n3A_185 : vector<512x128xi1>, vector<512x128xf32>
    %slice3A_192 = vector.extract_strided_slice %dot_general3A_8 {offsets = [0, 4096], sizes = [512, 128], strides = [1, 1]} : vector<512x8192xf32> to vector<512x128xf32>
    %gt3A_193 = arith.cmpf ogt, %slice3A_192, %max3A_188 : vector<512x128xf32>
    %max3A_194 = arith.maximumf %max3A_188, %slice3A_192 : vector<512x128xf32>
    %jit3A_195 = arith.constant 3.200000e+01 : f32
    %broadcast_in_dim3A_196 = vector.broadcast %jit3A_195 : f32 to vector<512x128xf32>
    %select_n3A_197 = arith.select %gt3A_193, %broadcast_in_dim3A_196, %select_n3A_191 : vector<512x128xi1>, vector<512x128xf32>
    %slice3A_198 = vector.extract_strided_slice %dot_general3A_8 {offsets = [0, 4224], sizes = [512, 128], strides = [1, 1]} : vector<512x8192xf32> to vector<512x128xf32>
    %gt3A_199 = arith.cmpf ogt, %slice3A_198, %max3A_194 : vector<512x128xf32>
    %max3A_200 = arith.maximumf %max3A_194, %slice3A_198 : vector<512x128xf32>
    %jit3A_201 = arith.constant 3.300000e+01 : f32
    %broadcast_in_dim3A_202 = vector.broadcast %jit3A_201 : f32 to vector<512x128xf32>
    %select_n3A_203 = arith.select %gt3A_199, %broadcast_in_dim3A_202, %select_n3A_197 : vector<512x128xi1>, vector<512x128xf32>
    %slice3A_204 = vector.extract_strided_slice %dot_general3A_8 {offsets = [0, 4352], sizes = [512, 128], strides = [1, 1]} : vector<512x8192xf32> to vector<512x128xf32>
    %gt3A_205 = arith.cmpf ogt, %slice3A_204, %max3A_200 : vector<512x128xf32>
    %max3A_206 = arith.maximumf %max3A_200, %slice3A_204 : vector<512x128xf32>
    %jit3A_207 = arith.constant 3.400000e+01 : f32
    %broadcast_in_dim3A_208 = vector.broadcast %jit3A_207 : f32 to vector<512x128xf32>
    %select_n3A_209 = arith.select %gt3A_205, %broadcast_in_dim3A_208, %select_n3A_203 : vector<512x128xi1>, vector<512x128xf32>
    %slice3A_210 = vector.extract_strided_slice %dot_general3A_8 {offsets = [0, 4480], sizes = [512, 128], strides = [1, 1]} : vector<512x8192xf32> to vector<512x128xf32>
    %gt3A_211 = arith.cmpf ogt, %slice3A_210, %max3A_206 : vector<512x128xf32>
    %max3A_212 = arith.maximumf %max3A_206, %slice3A_210 : vector<512x128xf32>
    %jit3A_213 = arith.constant 3.500000e+01 : f32
    %broadcast_in_dim3A_214 = vector.broadcast %jit3A_213 : f32 to vector<512x128xf32>
    %select_n3A_215 = arith.select %gt3A_211, %broadcast_in_dim3A_214, %select_n3A_209 : vector<512x128xi1>, vector<512x128xf32>
    %slice3A_216 = vector.extract_strided_slice %dot_general3A_8 {offsets = [0, 4608], sizes = [512, 128], strides = [1, 1]} : vector<512x8192xf32> to vector<512x128xf32>
    %gt3A_217 = arith.cmpf ogt, %slice3A_216, %max3A_212 : vector<512x128xf32>
    %max3A_218 = arith.maximumf %max3A_212, %slice3A_216 : vector<512x128xf32>
    %jit3A_219 = arith.constant 3.600000e+01 : f32
    %broadcast_in_dim3A_220 = vector.broadcast %jit3A_219 : f32 to vector<512x128xf32>
    %select_n3A_221 = arith.select %gt3A_217, %broadcast_in_dim3A_220, %select_n3A_215 : vector<512x128xi1>, vector<512x128xf32>
    %slice3A_222 = vector.extract_strided_slice %dot_general3A_8 {offsets = [0, 4736], sizes = [512, 128], strides = [1, 1]} : vector<512x8192xf32> to vector<512x128xf32>
    %gt3A_223 = arith.cmpf ogt, %slice3A_222, %max3A_218 : vector<512x128xf32>
    %max3A_224 = arith.maximumf %max3A_218, %slice3A_222 : vector<512x128xf32>
    %jit3A_225 = arith.constant 3.700000e+01 : f32
    %broadcast_in_dim3A_226 = vector.broadcast %jit3A_225 : f32 to vector<512x128xf32>
    %select_n3A_227 = arith.select %gt3A_223, %broadcast_in_dim3A_226, %select_n3A_221 : vector<512x128xi1>, vector<512x128xf32>
    %slice3A_228 = vector.extract_strided_slice %dot_general3A_8 {offsets = [0, 4864], sizes = [512, 128], strides = [1, 1]} : vector<512x8192xf32> to vector<512x128xf32>
    %gt3A_229 = arith.cmpf ogt, %slice3A_228, %max3A_224 : vector<512x128xf32>
    %max3A_230 = arith.maximumf %max3A_224, %slice3A_228 : vector<512x128xf32>
    %jit3A_231 = arith.constant 3.800000e+01 : f32
    %broadcast_in_dim3A_232 = vector.broadcast %jit3A_231 : f32 to vector<512x128xf32>
    %select_n3A_233 = arith.select %gt3A_229, %broadcast_in_dim3A_232, %select_n3A_227 : vector<512x128xi1>, vector<512x128xf32>
    %slice3A_234 = vector.extract_strided_slice %dot_general3A_8 {offsets = [0, 4992], sizes = [512, 128], strides = [1, 1]} : vector<512x8192xf32> to vector<512x128xf32>
    %gt3A_235 = arith.cmpf ogt, %slice3A_234, %max3A_230 : vector<512x128xf32>
    %max3A_236 = arith.maximumf %max3A_230, %slice3A_234 : vector<512x128xf32>
    %jit3A_237 = arith.constant 3.900000e+01 : f32
    %broadcast_in_dim3A_238 = vector.broadcast %jit3A_237 : f32 to vector<512x128xf32>
    %select_n3A_239 = arith.select %gt3A_235, %broadcast_in_dim3A_238, %select_n3A_233 : vector<512x128xi1>, vector<512x128xf32>
    %slice3A_240 = vector.extract_strided_slice %dot_general3A_8 {offsets = [0, 5120], sizes = [512, 128], strides = [1, 1]} : vector<512x8192xf32> to vector<512x128xf32>
    %gt3A_241 = arith.cmpf ogt, %slice3A_240, %max3A_236 : vector<512x128xf32>
    %max3A_242 = arith.maximumf %max3A_236, %slice3A_240 : vector<512x128xf32>
    %jit3A_243 = arith.constant 4.000000e+01 : f32
    %broadcast_in_dim3A_244 = vector.broadcast %jit3A_243 : f32 to vector<512x128xf32>
    %select_n3A_245 = arith.select %gt3A_241, %broadcast_in_dim3A_244, %select_n3A_239 : vector<512x128xi1>, vector<512x128xf32>
    %slice3A_246 = vector.extract_strided_slice %dot_general3A_8 {offsets = [0, 5248], sizes = [512, 128], strides = [1, 1]} : vector<512x8192xf32> to vector<512x128xf32>
    %gt3A_247 = arith.cmpf ogt, %slice3A_246, %max3A_242 : vector<512x128xf32>
    %max3A_248 = arith.maximumf %max3A_242, %slice3A_246 : vector<512x128xf32>
    %jit3A_249 = arith.constant 4.100000e+01 : f32
    %broadcast_in_dim3A_250 = vector.broadcast %jit3A_249 : f32 to vector<512x128xf32>
    %select_n3A_251 = arith.select %gt3A_247, %broadcast_in_dim3A_250, %select_n3A_245 : vector<512x128xi1>, vector<512x128xf32>
    %slice3A_252 = vector.extract_strided_slice %dot_general3A_8 {offsets = [0, 5376], sizes = [512, 128], strides = [1, 1]} : vector<512x8192xf32> to vector<512x128xf32>
    %gt3A_253 = arith.cmpf ogt, %slice3A_252, %max3A_248 : vector<512x128xf32>
    %max3A_254 = arith.maximumf %max3A_248, %slice3A_252 : vector<512x128xf32>
    %jit3A_255 = arith.constant 4.200000e+01 : f32
    %broadcast_in_dim3A_256 = vector.broadcast %jit3A_255 : f32 to vector<512x128xf32>
    %select_n3A_257 = arith.select %gt3A_253, %broadcast_in_dim3A_256, %select_n3A_251 : vector<512x128xi1>, vector<512x128xf32>
    %slice3A_258 = vector.extract_strided_slice %dot_general3A_8 {offsets = [0, 5504], sizes = [512, 128], strides = [1, 1]} : vector<512x8192xf32> to vector<512x128xf32>
    %gt3A_259 = arith.cmpf ogt, %slice3A_258, %max3A_254 : vector<512x128xf32>
    %max3A_260 = arith.maximumf %max3A_254, %slice3A_258 : vector<512x128xf32>
    %jit3A_261 = arith.constant 4.300000e+01 : f32
    %broadcast_in_dim3A_262 = vector.broadcast %jit3A_261 : f32 to vector<512x128xf32>
    %select_n3A_263 = arith.select %gt3A_259, %broadcast_in_dim3A_262, %select_n3A_257 : vector<512x128xi1>, vector<512x128xf32>
    %slice3A_264 = vector.extract_strided_slice %dot_general3A_8 {offsets = [0, 5632], sizes = [512, 128], strides = [1, 1]} : vector<512x8192xf32> to vector<512x128xf32>
    %gt3A_265 = arith.cmpf ogt, %slice3A_264, %max3A_260 : vector<512x128xf32>
    %max3A_266 = arith.maximumf %max3A_260, %slice3A_264 : vector<512x128xf32>
    %jit3A_267 = arith.constant 4.400000e+01 : f32
    %broadcast_in_dim3A_268 = vector.broadcast %jit3A_267 : f32 to vector<512x128xf32>
    %select_n3A_269 = arith.select %gt3A_265, %broadcast_in_dim3A_268, %select_n3A_263 : vector<512x128xi1>, vector<512x128xf32>
    %slice3A_270 = vector.extract_strided_slice %dot_general3A_8 {offsets = [0, 5760], sizes = [512, 128], strides = [1, 1]} : vector<512x8192xf32> to vector<512x128xf32>
    %gt3A_271 = arith.cmpf ogt, %slice3A_270, %max3A_266 : vector<512x128xf32>
    %max3A_272 = arith.maximumf %max3A_266, %slice3A_270 : vector<512x128xf32>
    %jit3A_273 = arith.constant 4.500000e+01 : f32
    %broadcast_in_dim3A_274 = vector.broadcast %jit3A_273 : f32 to vector<512x128xf32>
    %select_n3A_275 = arith.select %gt3A_271, %broadcast_in_dim3A_274, %select_n3A_269 : vector<512x128xi1>, vector<512x128xf32>
    %slice3A_276 = vector.extract_strided_slice %dot_general3A_8 {offsets = [0, 5888], sizes = [512, 128], strides = [1, 1]} : vector<512x8192xf32> to vector<512x128xf32>
    %gt3A_277 = arith.cmpf ogt, %slice3A_276, %max3A_272 : vector<512x128xf32>
    %max3A_278 = arith.maximumf %max3A_272, %slice3A_276 : vector<512x128xf32>
    %jit3A_279 = arith.constant 4.600000e+01 : f32
    %broadcast_in_dim3A_280 = vector.broadcast %jit3A_279 : f32 to vector<512x128xf32>
    %select_n3A_281 = arith.select %gt3A_277, %broadcast_in_dim3A_280, %select_n3A_275 : vector<512x128xi1>, vector<512x128xf32>
    %slice3A_282 = vector.extract_strided_slice %dot_general3A_8 {offsets = [0, 6016], sizes = [512, 128], strides = [1, 1]} : vector<512x8192xf32> to vector<512x128xf32>
    %gt3A_283 = arith.cmpf ogt, %slice3A_282, %max3A_278 : vector<512x128xf32>
    %max3A_284 = arith.maximumf %max3A_278, %slice3A_282 : vector<512x128xf32>
    %jit3A_285 = arith.constant 4.700000e+01 : f32
    %broadcast_in_dim3A_286 = vector.broadcast %jit3A_285 : f32 to vector<512x128xf32>
    %select_n3A_287 = arith.select %gt3A_283, %broadcast_in_dim3A_286, %select_n3A_281 : vector<512x128xi1>, vector<512x128xf32>
    %slice3A_288 = vector.extract_strided_slice %dot_general3A_8 {offsets = [0, 6144], sizes = [512, 128], strides = [1, 1]} : vector<512x8192xf32> to vector<512x128xf32>
    %gt3A_289 = arith.cmpf ogt, %slice3A_288, %max3A_284 : vector<512x128xf32>
    %max3A_290 = arith.maximumf %max3A_284, %slice3A_288 : vector<512x128xf32>
    %jit3A_291 = arith.constant 4.800000e+01 : f32
    %broadcast_in_dim3A_292 = vector.broadcast %jit3A_291 : f32 to vector<512x128xf32>
    %select_n3A_293 = arith.select %gt3A_289, %broadcast_in_dim3A_292, %select_n3A_287 : vector<512x128xi1>, vector<512x128xf32>
    %slice3A_294 = vector.extract_strided_slice %dot_general3A_8 {offsets = [0, 6272], sizes = [512, 128], strides = [1, 1]} : vector<512x8192xf32> to vector<512x128xf32>
    %gt3A_295 = arith.cmpf ogt, %slice3A_294, %max3A_290 : vector<512x128xf32>
    %max3A_296 = arith.maximumf %max3A_290, %slice3A_294 : vector<512x128xf32>
    %jit3A_297 = arith.constant 4.900000e+01 : f32
    %broadcast_in_dim3A_298 = vector.broadcast %jit3A_297 : f32 to vector<512x128xf32>
    %select_n3A_299 = arith.select %gt3A_295, %broadcast_in_dim3A_298, %select_n3A_293 : vector<512x128xi1>, vector<512x128xf32>
    %slice3A_300 = vector.extract_strided_slice %dot_general3A_8 {offsets = [0, 6400], sizes = [512, 128], strides = [1, 1]} : vector<512x8192xf32> to vector<512x128xf32>
    %gt3A_301 = arith.cmpf ogt, %slice3A_300, %max3A_296 : vector<512x128xf32>
    %max3A_302 = arith.maximumf %max3A_296, %slice3A_300 : vector<512x128xf32>
    %jit3A_303 = arith.constant 5.000000e+01 : f32
    %broadcast_in_dim3A_304 = vector.broadcast %jit3A_303 : f32 to vector<512x128xf32>
    %select_n3A_305 = arith.select %gt3A_301, %broadcast_in_dim3A_304, %select_n3A_299 : vector<512x128xi1>, vector<512x128xf32>
    %slice3A_306 = vector.extract_strided_slice %dot_general3A_8 {offsets = [0, 6528], sizes = [512, 128], strides = [1, 1]} : vector<512x8192xf32> to vector<512x128xf32>
    %gt3A_307 = arith.cmpf ogt, %slice3A_306, %max3A_302 : vector<512x128xf32>
    %max3A_308 = arith.maximumf %max3A_302, %slice3A_306 : vector<512x128xf32>
    %jit3A_309 = arith.constant 5.100000e+01 : f32
    %broadcast_in_dim3A_310 = vector.broadcast %jit3A_309 : f32 to vector<512x128xf32>
    %select_n3A_311 = arith.select %gt3A_307, %broadcast_in_dim3A_310, %select_n3A_305 : vector<512x128xi1>, vector<512x128xf32>
    %slice3A_312 = vector.extract_strided_slice %dot_general3A_8 {offsets = [0, 6656], sizes = [512, 128], strides = [1, 1]} : vector<512x8192xf32> to vector<512x128xf32>
    %gt3A_313 = arith.cmpf ogt, %slice3A_312, %max3A_308 : vector<512x128xf32>
    %max3A_314 = arith.maximumf %max3A_308, %slice3A_312 : vector<512x128xf32>
    %jit3A_315 = arith.constant 5.200000e+01 : f32
    %broadcast_in_dim3A_316 = vector.broadcast %jit3A_315 : f32 to vector<512x128xf32>
    %select_n3A_317 = arith.select %gt3A_313, %broadcast_in_dim3A_316, %select_n3A_311 : vector<512x128xi1>, vector<512x128xf32>
    %slice3A_318 = vector.extract_strided_slice %dot_general3A_8 {offsets = [0, 6784], sizes = [512, 128], strides = [1, 1]} : vector<512x8192xf32> to vector<512x128xf32>
    %gt3A_319 = arith.cmpf ogt, %slice3A_318, %max3A_314 : vector<512x128xf32>
    %max3A_320 = arith.maximumf %max3A_314, %slice3A_318 : vector<512x128xf32>
    %jit3A_321 = arith.constant 5.300000e+01 : f32
    %broadcast_in_dim3A_322 = vector.broadcast %jit3A_321 : f32 to vector<512x128xf32>
    %select_n3A_323 = arith.select %gt3A_319, %broadcast_in_dim3A_322, %select_n3A_317 : vector<512x128xi1>, vector<512x128xf32>
    %slice3A_324 = vector.extract_strided_slice %dot_general3A_8 {offsets = [0, 6912], sizes = [512, 128], strides = [1, 1]} : vector<512x8192xf32> to vector<512x128xf32>
    %gt3A_325 = arith.cmpf ogt, %slice3A_324, %max3A_320 : vector<512x128xf32>
    %max3A_326 = arith.maximumf %max3A_320, %slice3A_324 : vector<512x128xf32>
    %jit3A_327 = arith.constant 5.400000e+01 : f32
    %broadcast_in_dim3A_328 = vector.broadcast %jit3A_327 : f32 to vector<512x128xf32>
    %select_n3A_329 = arith.select %gt3A_325, %broadcast_in_dim3A_328, %select_n3A_323 : vector<512x128xi1>, vector<512x128xf32>
    %slice3A_330 = vector.extract_strided_slice %dot_general3A_8 {offsets = [0, 7040], sizes = [512, 128], strides = [1, 1]} : vector<512x8192xf32> to vector<512x128xf32>
    %gt3A_331 = arith.cmpf ogt, %slice3A_330, %max3A_326 : vector<512x128xf32>
    %max3A_332 = arith.maximumf %max3A_326, %slice3A_330 : vector<512x128xf32>
    %jit3A_333 = arith.constant 5.500000e+01 : f32
    %broadcast_in_dim3A_334 = vector.broadcast %jit3A_333 : f32 to vector<512x128xf32>
    %select_n3A_335 = arith.select %gt3A_331, %broadcast_in_dim3A_334, %select_n3A_329 : vector<512x128xi1>, vector<512x128xf32>
    %slice3A_336 = vector.extract_strided_slice %dot_general3A_8 {offsets = [0, 7168], sizes = [512, 128], strides = [1, 1]} : vector<512x8192xf32> to vector<512x128xf32>
    %gt3A_337 = arith.cmpf ogt, %slice3A_336, %max3A_332 : vector<512x128xf32>
    %max3A_338 = arith.maximumf %max3A_332, %slice3A_336 : vector<512x128xf32>
    %jit3A_339 = arith.constant 5.600000e+01 : f32
    %broadcast_in_dim3A_340 = vector.broadcast %jit3A_339 : f32 to vector<512x128xf32>
    %select_n3A_341 = arith.select %gt3A_337, %broadcast_in_dim3A_340, %select_n3A_335 : vector<512x128xi1>, vector<512x128xf32>
    %slice3A_342 = vector.extract_strided_slice %dot_general3A_8 {offsets = [0, 7296], sizes = [512, 128], strides = [1, 1]} : vector<512x8192xf32> to vector<512x128xf32>
    %gt3A_343 = arith.cmpf ogt, %slice3A_342, %max3A_338 : vector<512x128xf32>
    %max3A_344 = arith.maximumf %max3A_338, %slice3A_342 : vector<512x128xf32>
    %jit3A_345 = arith.constant 5.700000e+01 : f32
    %broadcast_in_dim3A_346 = vector.broadcast %jit3A_345 : f32 to vector<512x128xf32>
    %select_n3A_347 = arith.select %gt3A_343, %broadcast_in_dim3A_346, %select_n3A_341 : vector<512x128xi1>, vector<512x128xf32>
    %slice3A_348 = vector.extract_strided_slice %dot_general3A_8 {offsets = [0, 7424], sizes = [512, 128], strides = [1, 1]} : vector<512x8192xf32> to vector<512x128xf32>
    %gt3A_349 = arith.cmpf ogt, %slice3A_348, %max3A_344 : vector<512x128xf32>
    %max3A_350 = arith.maximumf %max3A_344, %slice3A_348 : vector<512x128xf32>
    %jit3A_351 = arith.constant 5.800000e+01 : f32
    %broadcast_in_dim3A_352 = vector.broadcast %jit3A_351 : f32 to vector<512x128xf32>
    %select_n3A_353 = arith.select %gt3A_349, %broadcast_in_dim3A_352, %select_n3A_347 : vector<512x128xi1>, vector<512x128xf32>
    %slice3A_354 = vector.extract_strided_slice %dot_general3A_8 {offsets = [0, 7552], sizes = [512, 128], strides = [1, 1]} : vector<512x8192xf32> to vector<512x128xf32>
    %gt3A_355 = arith.cmpf ogt, %slice3A_354, %max3A_350 : vector<512x128xf32>
    %max3A_356 = arith.maximumf %max3A_350, %slice3A_354 : vector<512x128xf32>
    %jit3A_357 = arith.constant 5.900000e+01 : f32
    %broadcast_in_dim3A_358 = vector.broadcast %jit3A_357 : f32 to vector<512x128xf32>
    %select_n3A_359 = arith.select %gt3A_355, %broadcast_in_dim3A_358, %select_n3A_353 : vector<512x128xi1>, vector<512x128xf32>
    %slice3A_360 = vector.extract_strided_slice %dot_general3A_8 {offsets = [0, 7680], sizes = [512, 128], strides = [1, 1]} : vector<512x8192xf32> to vector<512x128xf32>
    %gt3A_361 = arith.cmpf ogt, %slice3A_360, %max3A_356 : vector<512x128xf32>
    %max3A_362 = arith.maximumf %max3A_356, %slice3A_360 : vector<512x128xf32>
    %jit3A_363 = arith.constant 6.000000e+01 : f32
    %broadcast_in_dim3A_364 = vector.broadcast %jit3A_363 : f32 to vector<512x128xf32>
    %select_n3A_365 = arith.select %gt3A_361, %broadcast_in_dim3A_364, %select_n3A_359 : vector<512x128xi1>, vector<512x128xf32>
    %slice3A_366 = vector.extract_strided_slice %dot_general3A_8 {offsets = [0, 7808], sizes = [512, 128], strides = [1, 1]} : vector<512x8192xf32> to vector<512x128xf32>
    %gt3A_367 = arith.cmpf ogt, %slice3A_366, %max3A_362 : vector<512x128xf32>
    %max3A_368 = arith.maximumf %max3A_362, %slice3A_366 : vector<512x128xf32>
    %jit3A_369 = arith.constant 6.100000e+01 : f32
    %broadcast_in_dim3A_370 = vector.broadcast %jit3A_369 : f32 to vector<512x128xf32>
    %select_n3A_371 = arith.select %gt3A_367, %broadcast_in_dim3A_370, %select_n3A_365 : vector<512x128xi1>, vector<512x128xf32>
    %slice3A_372 = vector.extract_strided_slice %dot_general3A_8 {offsets = [0, 7936], sizes = [512, 128], strides = [1, 1]} : vector<512x8192xf32> to vector<512x128xf32>
    %gt3A_373 = arith.cmpf ogt, %slice3A_372, %max3A_368 : vector<512x128xf32>
    %max3A_374 = arith.maximumf %max3A_368, %slice3A_372 : vector<512x128xf32>
    %jit3A_375 = arith.constant 6.200000e+01 : f32
    %broadcast_in_dim3A_376 = vector.broadcast %jit3A_375 : f32 to vector<512x128xf32>
    %select_n3A_377 = arith.select %gt3A_373, %broadcast_in_dim3A_376, %select_n3A_371 : vector<512x128xi1>, vector<512x128xf32>
    %slice3A_378 = vector.extract_strided_slice %dot_general3A_8 {offsets = [0, 8064], sizes = [512, 128], strides = [1, 1]} : vector<512x8192xf32> to vector<512x128xf32>
    %gt3A_379 = arith.cmpf ogt, %slice3A_378, %max3A_374 : vector<512x128xf32>
    %max3A_380 = arith.maximumf %max3A_374, %slice3A_378 : vector<512x128xf32>
    %jit3A_381 = arith.constant 6.300000e+01 : f32
    %broadcast_in_dim3A_382 = vector.broadcast %jit3A_381 : f32 to vector<512x128xf32>
    %select_n3A_383 = arith.select %gt3A_379, %broadcast_in_dim3A_382, %select_n3A_377 : vector<512x128xi1>, vector<512x128xf32>
    %reduce_max3A = arith.constant dense<0xFF800000> : vector<512xf32>
    %reduce_max3A_384 = vector.multi_reduction <maximumf>, %max3A_380, %reduce_max3A [1] : vector<512x128xf32> to vector<512xf32>
    %broadcast_in_dim3A_385 = vector.shape_cast %reduce_max3A_384 : vector<512xf32> to vector<512x1xf32>
    %eq3A_386 = vector.broadcast %broadcast_in_dim3A_385 : vector<512x1xf32> to vector<512x128xf32>
    %eq3A_387 = arith.cmpf oeq, %max3A_380, %eq3A_386 : vector<512x128xf32>
    %jit3A_388 = arith.constant 8.192000e+03 : f32
    %broadcast_in_dim3A_389 = vector.broadcast %jit3A_388 : f32 to vector<512x128xf32>
    %select_n3A_390 = arith.select %eq3A_387, %select_n3A_383, %broadcast_in_dim3A_389 : vector<512x128xi1>, vector<512x128xf32>
    %reduce_min3A = arith.constant dense<0x7F800000> : vector<512xf32>
    %reduce_min3A_391 = vector.multi_reduction <minimumf>, %select_n3A_390, %reduce_min3A [1] : vector<512x128xf32> to vector<512xf32>
    %broadcast_in_dim3A_392 = vector.shape_cast %reduce_min3A_391 : vector<512xf32> to vector<512x1xf32>
    %get3A_393 = arith.constant 0 : index
    %get3A_394 = arith.constant 0 : index
    %get3A_395 = vector.load %arg8[%get3A_393, %get3A_394] : memref<1x128xf32, #tpu.memory_space<vmem>>, vector<1x128xf32>
    %broadcast_in_dim3A_396 = vector.shape_cast %get3A_395 : vector<1x128xf32> to vector<1x128xf32>
    %broadcast_in_dim3A_397 = vector.broadcast %broadcast_in_dim3A_396 : vector<1x128xf32> to vector<512x128xf32>
    %eq3A_398 = vector.broadcast %broadcast_in_dim3A_392 : vector<512x1xf32> to vector<512x128xf32>
    %eq3A_399 = arith.cmpf oeq, %select_n3A_383, %eq3A_398 : vector<512x128xf32>
    %and3A = arith.andi %eq3A_387, %eq3A_399 : vector<512x128xi1>
    %jit3A_400 = arith.constant 8.192000e+03 : f32
    %broadcast_in_dim3A_401 = vector.broadcast %jit3A_400 : f32 to vector<512x128xf32>
    %select_n3A_402 = arith.select %and3A, %broadcast_in_dim3A_397, %broadcast_in_dim3A_401 : vector<512x128xi1>, vector<512x128xf32>
    %reduce_min3A_403 = arith.constant dense<0x7F800000> : vector<512xf32>
    %reduce_min3A_404 = vector.multi_reduction <minimumf>, %select_n3A_402, %reduce_min3A_403 [1] : vector<512x128xf32> to vector<512xf32>
    %broadcast_in_dim3A_405 = vector.shape_cast %reduce_min3A_404 : vector<512xf32> to vector<512x1xf32>
    %mul3A_406 = arith.constant 1.280000e+02 : f32
    %mul3A_407 = vector.broadcast %mul3A_406 : f32 to vector<512x1xf32>
    %mul3A_408 = arith.mulf %broadcast_in_dim3A_392, %mul3A_407 : vector<512x1xf32>
    %add3A = arith.addf %mul3A_408, %broadcast_in_dim3A_405 : vector<512x1xf32>
    %convert_element_type3A_409 = arith.fptosi %add3A : vector<512x1xf32> to vector<512x1xi32>
    %swap3A = arith.constant 0 : index
    %swap3A_410 = arith.constant 0 : index
    %swap3A_411 = vector.load %arg5[%swap3A, %swap3A_410] : memref<512x1xi32, #tpu.memory_space<vmem>>, vector<512x1xi32>
    tpu.vector_store %arg5[%swap3A, %swap3A_410], %convert_element_type3A_409 {strides = array<i32>} : memref<512x1xi32, #tpu.memory_space<vmem>>, vector<512x1xi32>,
    return
  }
  func.func @transform_0(%arg0: i32) -> (i32, i32) {
    %c0_i32 = arith.constant 0 : i32
    %c0_i32_0 = arith.constant 0 : i32
    %c0_i32_1 = arith.constant 0 : i32
    return %c0_i32, %c0_i32_0 : i32, i32
  }
  func.func @transform_1(%arg0: i32) -> (i32, i32) {
    %c0_i32 = arith.constant 0 : i32
    %c0_i32_0 = arith.constant 0 : i32
    %c0_i32_1 = arith.constant 0 : i32
    return %c0_i32, %c0_i32_0 : i32, i32
  }
  func.func @transform_2(%arg0: i32) -> (i32, i32) {
    %c0_i32 = arith.constant 0 : i32
    %c0_i32_0 = arith.constant 0 : i32
    %c0_i32_1 = arith.constant 0 : i32
    return %c0_i32, %c0_i32_0 : i32, i32
  }
  func.func @transform_3(%arg0: i32) -> (i32, i32) {
    %c0_i32 = arith.constant 0 : i32
    %c0_i32_0 = arith.constant 0 : i32
    %c0_i32_1 = arith.constant 0 : i32
    return %c0_i32, %c0_i32_0 : i32, i32
  }
  func.func @transform_4(%arg0: i32) -> (i32, i32) {
    %c0_i32 = arith.constant 0 : i32
    %c0_i32_0 = arith.constant 0 : i32
    return %arg0, %c0_i32 : i32, i32
  }
  func.func @transform_5(%arg0: i32) -> (i32, i32) {
    %c0_i32 = arith.constant 0 : i32
    %c0_i32_0 = arith.constant 0 : i32
    %c0_i32_1 = arith.constant 0 : i32
    return %c0_i32, %c0_i32_0 : i32, i32
  }
}

</mosaic_0001>

<sc_bundles>
// kernel: kernel.4.cloned.1.call-start
scs
__scs_entry_jumppad:
0x0: {  	(pc) =	sbr.rel $0x88, $3  }
0x1: {  	(tag) =	ssettag $0x0;
	lr =	simm.s32 $0x1  }
0x2: {  	[smem:$0x3F9D] =	sst lr;
	_ =	strace $0xD0000000  }
0x3: {  	_ = 	snop  }
0x4: {  	_ = 	snop  }
0x5: {  	_ = 	snop  }
0x6: {  	_ = 	snop  }
0x7: {  	_ = 	snop  }
__scs_overlays_trampoline_lowered:
0x8: {  	[smem:$0x3FAC] =	sst s0  }
0x9: {  	[smem:$0x3FAD] =	sst s1  }
0xa: {  	[smem:$0x3FAE] =	sst s2  }
0xb: {  	[smem:$0x3FAF] =	sst s3  }
0xc: {  	[smem:$0x3FB0] =	sst s4  }
0xd: {  	[smem:$0x3FB1] =	sst s5  }
0xe: {  	[smem:$0x3FB2] =	sst s6  }
0xf: {  	[smem:$0x3FB3] =	sst s7  }
0x10: {  	[smem:$0x3FB4] =	sst s8  }
0x11: {  	[smem:$0x3FB5] =	sst s9;
	s0 =	simm.s32 @!p0 $0x0  }
0x12: {  	s1 =	sld [smem:$0x3F9B];
	s0 =	simm.s32 @p0 $0x1  }
0x13: {  	[smem:$0x3FB6] =	sst s0;
	s0 =	simm.s32 @!p1 $0x0  }
0x14: {  	s2 =	sld [smem:$0x3F9A];
	s0 =	simm.s32 @p1 $0x1  }
0x15: {  	[smem:$0x3FB7] =	sst s0;
	s0 =	simm.s32 @!p2 $0x0  }
0x16: {  	s3 =	sld [smem:$0x3FDB];
	s0 =	simm.s32 @p2 $0x1  }
0x17: {  	s4 =	simm.s32 $0x1BF5;
	[smem:$0x3FB9] =	sst s0  }
0x18: {  	s0 =	sld [smem:$0x3F9C];
	_ =	swait.ge [sflag:s4], $0x0  }
0x19: {  	s7 =	sld [smem:$0x3F9D]  }
0x1a: {  	s8 =	sadd.s32 $0xFFFFE003, lr  }
0x1b: {  	s9 =	sadd.s32 $0xFFFFFEF7, lr;
	s5 =	simm.s32 $0xFFFFFFFF;
	p2 =	slt.u32 s8, $0xFFFFF086  }
0x1c: {  	p1 =	slt.u32 s9, $0xF7A;
	s5 =	simm.s32 @!p2 $0x0  }
0x1d: {  	s5 =	simm.s32 @p1 $0x1;
	p0 =	seq.s32 s7, s2  }
0x1e: {  	s7 =	smul.u32 @!p0 $0xF7A, s2;
	p2 =	seq.s32 @!p0 s5, $0x0  }
0x1f: {  	s9 =	smul.u32 $0xF7A, s1;
	s8 =	simm.s32 @!p0 $0x1BF5;
	p2 =	por !p2, p0  }
0x20: {  	[sflag:s8] =	ssyncset.s32 @!p0 $0xFFFFF086;
	s6 =	sadd.s32 @!p0 s3, s7;
	s7 =	simm.s32 @!p0 $0x108  }
0x21: {  	s3 =	sadd.s32 s3, s9;
	s6 =	sadd.s32 @!p0 $0x88, s6;
	s7 =	simm.s32 @p2 $0x1082  }
0x22: {  	[simem:s7], [sflag:s8] =	dma.local @!p0 [hbm:s6], $0xF7A  }
0x23: {  	s9 =	sor.u32 $0xD0000000, s2;
	s6 =	simm.s32 $0x108;
	_ =	swait.ge @!p0 [sflag:s8], $0x0  }
0x24: {  	s3 =	sadd.s32 $0x88, s3;
	s6 =	simm.s32 @!p1 $0x1082;
	[sflag:s4] =	ssyncset.s32 $0xFFFFF086  }
0x25: {  	[simem:s6], [sflag:s4] =	dma.local [hbm:s3], $0xF7A  }
0x26: {  	[smem:$0x3F9D] =	sst s1;
	(tag) =	ssettag s2;
	_ =	strace s9  }
0x27: {  	s1 =	sld [smem:$0x3FAD]  }
0x28: {  	s2 =	sld [smem:$0x3FAE]  }
0x29: {  	s4 =	sld [smem:$0x3FB0]  }
0x2a: {  	p0 =	seq.s32 s5, $0x0;
	s5 =	sld [smem:$0x3FB1]  }
0x2b: {  	s6 =	sld [smem:$0x3FB2]  }
0x2c: {  	s7 =	sld [smem:$0x3FB3]  }
0x2d: {  	s3 =	simm.s32 $0x108;
	s8 =	sld [smem:$0x3FB4]  }
0x2e: {  	s3 =	simm.s32 @!p0 $0x1082;
	s9 =	sld [smem:$0x3FB5]  }
0x2f: {  	lr =	sadd.s32 s0, s3;
	s0 =	sld [smem:$0x3FAC]  }
0x30: {  	s3 =	sld [smem:$0x3FAF]  }
0x31: {  	[smem:$0x3FB8] =	sst s10  }
0x32: {  	s10 =	sld [smem:$0x3FB6];
	_ =	sdelay $0x3  }
0x33: {  	p0 =	seq.s32 s10, $0x1;
	s10 =	sld [smem:$0x3FB8];
	_ =	sdelay $0x3  }
0x34: {  	[smem:$0x3FB8] =	sst s10  }
0x35: {  	s10 =	sld [smem:$0x3FB7];
	_ =	sdelay $0x3  }
0x36: {  	p1 =	seq.s32 s10, $0x1;
	s10 =	sld [smem:$0x3FB8];
	_ =	sdelay $0x3  }
0x37: {  	[smem:$0x3FB8] =	sst s10  }
0x38: {  	s10 =	sld [smem:$0x3FB9]  }
0x39: {  	_ = 	snop;
	(pc) =	sbr.ind lr, $3  }
0x3a: {  	_ = 	snop  }
0x3b: {  	_ = 	snop  }
0x3c: {  	p2 =	seq.s32 s10, $0x1;
	s10 =	sld [smem:$0x3FB8]  }
0x3d: {  	_ =	shalt  }
0x3e: {  	_ =	shalt  }
0x3f: {  	_ =	shalt  }
0x40: {  	_ =	shalt  }
0x41: {  	_ =	shalt  }
0x42: {  	_ =	shalt  }
0x43: {  	_ =	shalt  }
0x44: {  	_ =	shalt  }
0x45: {  	_ =	shalt  }
0x46: {  	_ =	shalt  }
0x47: {  	_ =	shalt  }
0x48: {  	_ =	shalt  }
0x49: {  	_ =	shalt  }
0x4a: {  	_ =	shalt  }
0x4b: {  	_ =	shalt  }
0x4c: {  	_ =	shalt  }
0x4d: {  	_ =	shalt  }
0x4e: {  	_ =	shalt  }
0x4f: {  	_ =	shalt  }
0x50: {  	_ =	shalt  }
0x51: {  	_ =	shalt  }
0x52: {  	_ =	shalt  }
0x53: {  	_ =	shalt  }
0x54: {  	_ =	shalt  }
0x55: {  	_ =	shalt  }
0x56: {  	_ =	shalt  }
0x57: {  	_ =	shalt  }
0x58: {  	_ =	shalt  }
0x59: {  	_ =	shalt  }
0x5a: {  	_ =	shalt  }
0x5b: {  	_ =	shalt  }
0x5c: {  	_ =	shalt  }
0x5d: {  	_ =	shalt  }
0x5e: {  	_ =	shalt  }
0x5f: {  	_ =	shalt  }
0x60: {  	_ =	shalt  }
0x61: {  	_ =	shalt  }
0x62: {  	_ =	shalt  }
0x63: {  	_ =	shalt  }
0x64: {  	_ =	shalt  }
0x65: {  	_ =	shalt  }
0x66: {  	_ =	shalt  }
0x67: {  	_ =	shalt  }
0x68: {  	_ =	shalt  }
0x69: {  	_ =	shalt  }
0x6a: {  	_ =	shalt  }
0x6b: {  	_ =	shalt  }
0x6c: {  	_ =	shalt  }
0x6d: {  	_ =	shalt  }
0x6e: {  	_ =	shalt  }
0x6f: {  	_ =	shalt  }
0x70: {  	_ =	shalt  }
0x71: {  	_ =	shalt  }
0x72: {  	_ =	shalt  }
0x73: {  	_ =	shalt  }
0x74: {  	_ =	shalt  }
0x75: {  	_ =	shalt  }
0x76: {  	_ =	shalt  }
0x77: {  	_ =	shalt  }
0x78: {  	_ =	shalt  }
0x79: {  	_ =	shalt  }
0x7a: {  	_ =	shalt  }
0x7b: {  	_ =	shalt  }
0x7c: {  	_ =	shalt  }
0x7d: {  	_ =	shalt  }
0x7e: {  	_ =	shalt  }
0x7f: {  	_ =	shalt  }
0x80: {  	_ =	shalt  }
0x81: {  	_ =	shalt  }
0x82: {  	_ =	shalt  }
0x83: {  	_ =	shalt  }
0x84: {  	_ =	shalt  }
0x85: {  	_ =	shalt  }
0x86: {  	_ =	shalt  }
0x87: {  	_ =	shalt  }
.Lfunc_end0:
.L_simem_size_0:
called_computation_lowered:
.L_overlay_start_0:
0x88: {  	s2 =	sld [smem:$0x3FD9]  }
0x89: {  	s3 =	sld [smem:$0x3FFE];
	_ =	sdelay $0x1  }
0x8a: {  	s1 =	srdreg.scid  }
0x8b: {  	s0 =	sand.u32 $0x1, s1  }
0x8c: {  	s14 =	sshll.u32 s0, $0xA;
	s2 =	sadd.s32 s3, s2  }
0x8d: {  	s2 =	sadd.s32 s2, s14  }
0x8e: {  	[smem:$0x3FC4] =	sst s2  }
0x8f: {  	_ = 	snop  }
0x90: {  	s2 =	sld [smem:$0x3FD0];
	_ =	sdelay $0x2  }
0x91: {  	s15 =	simm.s32 $0xA;
	s4 =	simm.s32 $0x10  }
0x92: {  	[smem:s4], [sflag:s15] =	dma.local [hbm:s2], $0x1  }
0x93: {  	_ =	swait.eq [sflag:s15], $0x1  }
0x94: {  	[sflag:s15] =	ssyncset.done $0x0  }
0x95: {  	[sflag:s15] =	ssyncadd.s32 $0xFFFFFFFF  }
0x96: {  	s16 =	sld [smem:$0x10];
	(tm) =	ssettm $0x1  }
0x97: {  	s17 =	sld [smem:$0x3FFB];
	_ =	sdelay $0x3  }
0x98: {  	_ =	strace s17  }
0x99: {  	s3 =	sld [smem:$0x3FFC];
	_ =	sdelay $0x3  }
0x9a: {  	_ =	strace s3  }
0x9b: {  	s3 =	sld [smem:$0x3FFD];
	_ =	sdelay $0x3  }
0x9c: {  	_ =	strace s3  }
0x9d: {  	_ =	strace $0x8FFFFFFF  }
0x9e: {  	s18 =	sld [smem:$0x3FDB];
	_ =	sdelay $0x1  }
0x9f: {  	s19 =	simm.s32 $_scs_section_size  }
0xa0: {  	s5 =	simm.s32 $_size__tile_overlayer_lowered;
	s6 =	simm.s32 $_tile_overlayer_lowered  }
0xa1: {  	s22 =	simm.s32 $0x1BFF;
	s21 =	sshll.u32 s6, $0x1;
	s3 =	sadd.s32 s19, s18  }
0xa2: {  	s7 =	simm.s32 $0x0;
	s20 =	sshll.u32 s5, $0x1;
	s5 =	sadd.s32 s21, s3  }
0xa3: {  	[timem:s7], [sflag:s22] =	dma.local [hbm:s5], s20  }
0xa4: {  	_ =	swait.ge [sflag:s22], s20  }
0xa5: {  	s4 =	ssub.s32 $0x0, s20;
	[sflag:s22] =	ssyncset.done $0x0  }
0xa6: {  	[sflag:s22] =	ssyncadd.s32 s4;
	_ =	sdelay $0x1  }
0xa7: {  	s23 =	simm.s32 $0x1B8B  }
0xa8: {  	_ =	swait.ge [sflag:s23], $0x1  }
0xa9: {  	[sflag:s23] =	ssyncset.done $0x0  }
0xaa: {  	s25 =	simm.s32 $0x1B8E;
	s24 =	sld [smem:$0x3FFE];
	[sflag:s23] =	ssyncadd.s32 $0xFFFFFFFF  }
0xab: {  	s26 =	simm.s32 $execute0_lowered;
	[smem:$0x3FD2] =	sst s25  }
0xac: {  	s5 =	sshll.u32 s26, $0x1;
	_ =	strace $0x80000046;
	[dreg:$0x1] =	wrdreg $0xFFFFFFFF  }
0xad: {  	s28 =	simm.s32 $_size_execute0_lowered;
	s3 =	sadd.s32 s3, s5;
	[dreg:$0x0] =	wrdreg $0x0  }
0xae: {  	s5 =	sshll.u32 s28, $0x1;
	[dreg:$0x2] =	wrdreg s3  }
0xaf: {  	[dreg:$0x3] =	wrdreg s5  }
0xb0: {  	[dreg:$0x4] =	wrdreg $0xC0  }
0xb1: {  	_ =	task [dreg:s7], $0x5FFFF  }
0xb2: {  	[dreg:$0x1] =	wrdreg $0xFFFFFFFF  }
0xb3: {  	[dreg:$0x0] =	wrdreg $0x60  }
0xb4: {  	[dreg:$0x2] =	wrdreg s24  }
0xb5: {  	[dreg:$0x3] =	wrdreg s16  }
0xb6: {  	[dreg:$0x4] =	wrdreg $0x9  }
0xb7: {  	_ =	task.clear_ibuf [dreg:s7], $0x5FFFF;
	_ =	strace $0x90000046  }
0xb8: {  	s29 =	simm.s32 $0x9;
	_ =	strace $0x80000048  }
0xb9: {  	_ =	swait.ge [sflag:s29], $0x1  }
0xba: {  	[sflag:s29] =	ssyncadd.s32 $0xFFFFFFFF  }
0xbb: {  	_ =	strace $0x90000048  }
0xbc: {  	_ =	sfence  }
0xbd: {  	s30 =	sld [smem:$0x0];
	_ =	sdelay $0x2  }
0xbe: {  	s31 =	sshll.u32 s1, $0xD;
	s1 =	sshrl.u32 s1, $0x2  }
0xbf: {  	s3 =	sand.u32 $0x4000, s31;
	s1 =	sadd.s32 s1, s30  }
0xc0: {  	s0 =	sor.u32 s3, s0;
	s1 =	sshll.u32 s1, $0x11  }
0xc1: {  	s0 =	sor.u32 s1, s0  }
0xc2: {  	s0 =	sadd.s32 $0x8F2B, s0  }
0xc3: {  	[sflag:s0] =	ssyncadd.remote.s32 $0x1  }
0xc4: {  	_ =	sfence.sel $0xFFFF  }
0xc5: {  	[dreg:$0x0] =	wrdreg $0xFFFFFFFF;
	(pc) =	sbr.abs _section_cstart, $3  }
0xc6: {  	[dreg:$0x1] =	wrdreg $0xFFFFFFFF  }
0xc7: {  	_ =	task.clear_ibuf [dreg:s7], $0x2FFFF;
	_ =	strace $0x9FFFFFFF  }
0xc8: {  	(tm) =	ssettm $0x7FFFFFFF  }
0xc9: {  	_ =	shalt  }
tec
execute0_lowered:
.L_overlay_start_1:
0x0: {  	(tag) =	ssettag $0x1  }
0x1: {  	s4 =	rddreg [dreg:$0x0];
	s1 =	srdreg.scid  }
0x2: {  	s0 =	stileid.u32;
	s5 =	rddreg [dreg:$0x1]  }
0x3: {  	s2 =	simm.s32 $0x0;
	s12 =	simm.s32 $0x3180;
	s13 =	simm.s32 $0xC0  }
0x4: {  	s14 =	simm.s32 $0x6180;
	s15 =	simm.s32 $0x9180;
	s16 =	simm.s32 $0x1  }
0x5: {  	s17 =	simm.s32 $0xD980;
	s6 =	sand.u32 $0x1, s1;
	s3 =	sshll.u32 s0, $0x1  }
0x6: {  	s18 =	simm.s32 $0x0;
	[smem:$0x7FF] =	sst s2;
	s7 =	sor.u32 s6, s3  }
0x7: {  	s1 =	rddreg [dreg:$0x2];
	_ =	strace $0x80000047;
	s8 =	smul.u32 $0x24, s7  }
0x8: {  	s3 =	sadd.s32 $0xC00, s4;
	s6 =	ssub.s32 $0x2, s6;
	s9 =	smul.u32 $0x1200, s7  }
0x9: {  	s10 =	sshll.u32 s7, $0x4;
	s11 =	sshrl.u32 s6, $0x1;
	s7 =	smul.u32 $0x900, s7  }
0xa: {  	s10 =	sadd.s32 s10, s4;
	s11 =	ssub.s32 s6, s11;
	s8 =	sadd.s32 s8, s4  }
0xb: {  	s9 =	sadd.s32 s9, s4;
	s5 =	sadd.s32 s5, s7;
	s7 =	sadd.s32 $0x45200, s10  }
0xc: {  	s10 =	simm.s32 $0x60;
	s4 =	sadd.s32 $0x20C00, s8;
	s6 =	sadd.s32 $0x21200, s9  }
0xd: {  	s8 =	smax.u32 s11, $0x1;
	s9 =	simm.s32 $0x2;
	s11 =	simm.s32 $0x180  }
.LBB2_1:
0xe: {  	[tilespmem:s2], [sflag:$0x2] =	stream.linear.gather [hbm4b:s4+s2], $0x120, $0x38;
	[tilespmem:$0xDA00] =	vst v63  }
0xf: {  	_ =	swait.ge [sflag:s9], $0x120  }
0x10: {  	[sflag:s9] =	ssyncset.done $0x0  }
0x11: {  	[sflag:s9] =	ssyncadd.s32 $0xFFFFFEE0  }
0x12: {  	[tilespmem:s11], [sflag:$0x1] =	stream.indirect.gather [hbm4b:s3+s10], $0x80, s2, s10, $0xb8;
	[tilespmem:$0xDA00] =	vst v63  }
0x13: {  	_ = 	snop  }
0x14: {  	[tilespmem:s12], [sflag:$0x1] =	stream.indirect.gather [hbm4b:s3+s10], $0x80, s10, s10, $0xb8;
	[tilespmem:$0xDA00] =	vst v63  }
0x15: {  	_ = 	snop  }
0x16: {  	[tilespmem:s14], [sflag:$0x1] =	stream.indirect.gather [hbm4b:s3+s10], $0x80, s13, s10, $0xb8;
	[tilespmem:$0xDA00] =	vst v63  }
0x17: {  	_ = 	snop  }
0x18: {  	[tilespmem:s15], [sflag:$0x2] =	stream.linear.gather [hbm4b:s5+s2], $0x4800, $0x38;
	[tilespmem:$0xDA00] =	vst v63  }
0x19: {  	_ =	swait.ge [sflag:s9], $0x4800  }
0x1a: {  	[sflag:s9] =	ssyncset.done $0x0  }
0x1b: {  	[sflag:s9] =	ssyncadd.s32 $0xFFFFB800  }
0x1c: {  	_ =	swait.ge [sflag:s16], $0x3000  }
0x1d: {  	[sflag:s16] =	ssyncset.done $0x0  }
0x1e: {  	[sflag:s16] =	ssyncadd.s32 $0xFFFFD000  }
0x1f: {  	_ =	swait.ge [sflag:s16], $0x3000  }
0x20: {  	[sflag:s16] =	ssyncset.done $0x0  }
0x21: {  	[sflag:s16] =	ssyncadd.s32 $0xFFFFD000  }
0x22: {  	_ =	swait.ge [sflag:s16], $0x3000  }
0x23: {  	[sflag:s16] =	ssyncset.done $0x0  }
0x24: {  	s19 =	simm.s32 $0x91A0;
	[sflag:s16] =	ssyncadd.s32 $0xFFFFD000  }
0x25: {  	[hbm4b:s6+s2] =	stream.linear.scatter [tilespmem:s11], [sflag:$0x1], $0x9000, $0x38;
	[tilespmem:$0xDA00] =	vst v63  }
0x26: {  	s20 =	simm.s32 $0x0;
	v0 =	vld [tilespmem:s19+$0xFFFFFFE0]  }
0x27: {  	v2 =	vld [tilespmem:s20+$0x180]  }
0x28: {  	v7 =	vld [tilespmem:s19+$0xFFFFFFF0]  }
0x29: {  	v8 =	vld [tilespmem:s20+$0x190]  }
0x2a: {  	v1 =	vld [tilespmem:s19+$0x0]  }
0x2b: {  	v3 =	vld [tilespmem:s20+$0x1A0]  }
0x2c: {  	v6 =	vsub.f32 v2, v0;
	v0 =	vld [tilespmem:s19+$0x10]  }
0x2d: {  	v2 =	vld [tilespmem:s20+$0x1B0];
	s19 =	simm.s32 $0x91E0  }
0x2e: {  	v5 =	vimm.f32 $0.0e+00;
	s21 =	simm.s32 $0x400;
	s20 =	simm.s32 $0x80;
	v7 =	vsub.f32 v8, v7;
	v4 =	vld [tilespmem:s19+$0xFFFFFFE0];
	v6 =	vmul.f32 v6, v6  }
.LBB2_2:
0x2f: {  	p0 =	sne.s32 s21, $0x23E00;
	v8 =	vld [tilespmem:s20+$0x180]  }
0x30: {  	v9 =	vld [tilespmem:s19+$0xFFFFFFF0];
	v5 =	vadd.f32 v6, v5;
	v6 =	vmul.f32 v7, v7;
	v3 =	vsub.f32 v3, v1  }
0x31: {  	v7 =	vld [tilespmem:s20+$0x190]  }
.Ltmp0:
0x32: {  	v1 =	vld [tilespmem:s19+$0x0];
	v5 =	vadd.f32 v6, v5;
	v6 =	vmul.f32 v3, v3;
	v2 =	vsub.f32 v2, v0;
	(pc) =	sbr.rel @p0 .LBB2_2-.Ltmp0, $4  }
0x33: {  	v3 =	vld [tilespmem:s20+$0x1A0]  }
0x34: {  	v8 =	vsub.f32 v8, v4;
	v0 =	vld [tilespmem:s19+$0x10];
	v5 =	vadd.f32 v6, v5;
	v10 =	vmul.f32 v2, v2  }
0x35: {  	s19 =	sadd.s32 $0x40, s19;
	v2 =	vld [tilespmem:s20+$0x1B0]  }
0x36: {  	s20 =	sshra.s32 s21, $0x2;
	s21 =	sadd.s32 $0x200, s21;
	v4 =	vld [tilespmem:s19+$0xFFFFFFE0];
	v6 =	vmul.f32 v8, v8;
	v7 =	vsub.f32 v7, v9;
	v5 =	vadd.f32 v10, v5  }
0x37: {  	v8 =	vld [tilespmem:s20+$0x180]  }
0x38: {  	v9 =	vld [tilespmem:s19+$0xFFFFFFF0];
	v5 =	vadd.f32 v6, v5;
	v54 =	vmul.f32 v7, v7;
	v1 =	vsub.f32 v3, v1  }
0x39: {  	v55 =	vld [tilespmem:s20+$0x190]  }
0x3a: {  	v56 =	vld [tilespmem:s19+$0x0];
	v5 =	vadd.f32 v54, v5;
	v1 =	vmul.f32 v1, v1;
	v0 =	vsub.f32 v2, v0  }
0x3b: {  	v57 =	vld [tilespmem:s20+$0x1A0]  }
0x3c: {  	v58 =	vld [tilespmem:s19+$0x10];
	v4 =	vsub.f32 v8, v4;
	v1 =	vadd.f32 v1, v5;
	v0 =	vmul.f32 v0, v0  }
0x3d: {  	v59 =	vld [tilespmem:s20+$0x1B0]  }
0x3e: {  	v3 =	vsub.f32 v55, v9;
	v4 =	vmul.f32 v4, v4;
	v0 =	vadd.f32 v0, v1;
	_ =	sdelay $0x1  }
0x3f: {  	v2 =	vsub.f32 v57, v56;
	v60 =	vmul.f32 v3, v3;
	v0 =	vadd.f32 v4, v0;
	_ =	sdelay $0x1  }
0x40: {  	v62 =	vsub.f32 v59, v58;
	v61 =	vmul.f32 v2, v2;
	v0 =	vadd.f32 v60, v0;
	_ =	sdelay $0x1  }
0x41: {  	v63 =	vmul.f32 v62, v62;
	v0 =	vadd.f32 v61, v0;
	_ =	sdelay $0x1  }
0x42: {  	v0 =	vadd.f32 v63, v0;
	_ =	sdelay $0x1  }
0x43: {  	[tilespmem:$0xD980] =	vst v0  }
0x44: {  	s18 =	sadd.s32 $0x1, s18;
	_ =	swait.ge [sflag:s16], $0x9000  }
0x45: {  	p0 =	sne.s32 s18, s8;
	[sflag:s16] =	ssyncset.done $0x0  }
.Ltmp1:
0x46: {  	[sflag:s16] =	ssyncadd.s32 $0xFFFF7000;
	(pc) =	sbr.rel @p0 .LBB2_1-.Ltmp1, $4  }
0x47: {  	[hbm4b:s7+s2] =	stream.linear.scatter [tilespmem:s17], [sflag:$0x2], $0x80, $0x38;
	[tilespmem:$0xDA00] =	vst v63  }
0x48: {  	_ =	swait.ge [sflag:s9], $0x80  }
0x49: {  	[sflag:s9] =	ssyncset.done $0x0  }
0x4a: {  	[sflag:s9] =	ssyncadd.s32 $0xFFFFFF80  }
0x4b: {  	_ =	sfence.sel $0x180000  }
0x4c: {  	[bflag:$0x0] =	sbarrier.arrive $0xFFFF  }
0x4d: {  	p0 =	sne.s32 s0, $0x0;
	_ =	strace $0x90000047  }
0x4e: {  	s0 =	sadd.s32 @!p0 $0x100000, s1;
	[bflag:$0x2] =	sbarrier.arrive $0xFFFF  }
0x4f: {  	[sflag:s0] =	ssyncadd.tile.s32 @!p0 $0x1;
	_ =	shalt  }
.Lfunc_end2:
_tile_overlayer_lowered:
.L_overlay_start_2:
0x50: {  	(tag) =	ssettag $0x2  }
0x51: {  	s0 =	rddreg [dreg:$0x0];
	s2 =	stileid.u32  }
0x52: {  	s1 =	rddreg [dreg:$0x1];
	p0 =	sne.s32 s2, $0x0  }
0x53: {  	s3 =	rddreg [dreg:$0x2];
	[bflag:$0x3] =	sbarrier.arrive $0xFFFF;
	s2 =	simm.s32 @!p0 $0x1C02  }
0x54: {  	[timem:s3], [sflag:s2] =	dma.local @!p0 [hbm:s0], s1  }
0x55: {  	s0 =	simm.s32 @!p0 $0x2  }
0x56: {  	_ =	swait.ge @!p0 [sflag:s0], s1  }
0x57: {  	s1 =	ssub.s32 @!p0 $0x0, s1;
	[sflag:s0] =	ssyncset.done @!p0 $0x0  }
0x58: {  	[sflag:s0] =	ssyncadd.s32 @!p0 s1  }
0x59: {  	[bflag:$0x3] =	sbarrier.arrive $0xFFFF  }
0x5a: {  	_ =	shalt  }

</sc_bundles>
